<compile_context>
chip_gen: v7x
topology: tpu7x:2x2x1
jax: 0.10.2.dev20260603
libtpu: 0.0.44.dev20260713+nightly
codegen_flags: <defaults>
</compile_context>

<pallas_src>
import jax
import jax.numpy as jnp
from jax import lax
from jax.experimental import pallas as pl
from jax.experimental.pallas import tpu as pltpu, tpu_sc as plsc

NC = 2
NS = 16
NW = NC * NS
L = 16

D = 2048
ROWS = 2 * 4096
R = 8
BD = R * D
NBANDS = ROWS // R
BANDS_PER_W = NBANDS // NW


def _permute_body(
    x_hbm, perm_hbm, out_hbm,
    perm_v, idx_all, ins, outs, s_ins, s_outs,
):
    wid = lax.axis_index("s") * NC + lax.axis_index("c")
    band0 = wid * BANDS_PER_W

    def in_slice(i):
        return x_hbm.at[band0 + i]

    def out_slice(i):
        return out_hbm.at[band0 + i]

    pltpu.sync_copy(perm_hbm, perm_v)

    @pl.loop(0, D // 128)
    def _pre_t(t):
        @pl.loop(0, R)
        def _pre_r(rr):
            for lc in range(128 // L):
                pj = perm_v[pl.ds(t * 128 + lc * L, L)]
                src = ((pj >> 7) << 10) + (pj & 127) + (rr << 7)
                idx_all[pl.ds(t * 1024 + rr * 128 + lc * L, L)] = src

    def compute(ib, ob):
        @plsc.parallel_loop(0, BD, step=L, unroll=8)
        def _col(p):
            idx = idx_all[pl.ds(p, L)]
            ob[pl.ds(p, L)] = plsc.load_gather(ib, [idx])

    NB = 3
    MAIN = (BANDS_PER_W // NB) * NB

    for b in range(NB):
        pltpu.async_copy(in_slice(b), ins[b], s_ins[b])

    def step(ci, b, prefetch):
        pltpu.make_async_copy(in_slice(ci), ins[b], s_ins[b]).wait()

        @pl.when(ci >= NB)
        def _drain_out():
            pltpu.make_async_copy(outs[b], out_slice(ci - NB), s_outs[b]).wait()

        compute(ins[b], outs[b])
        pltpu.async_copy(outs[b], out_slice(ci), s_outs[b])
        if prefetch:
            @pl.when(ci + NB < BANDS_PER_W)
            def _prefetch_in():
                pltpu.async_copy(in_slice(ci + NB), ins[b], s_ins[b])

    @pl.loop(0, MAIN, step=NB)
    def _outer(i):
        for b in range(NB):
            step(i + b, b, True)

    for ci in range(MAIN, BANDS_PER_W):
        step(ci, ci % NB, False)

    for ci in range(BANDS_PER_W - NB, BANDS_PER_W):
        b = ci % NB
        pltpu.make_async_copy(outs[b], out_slice(ci), s_outs[b]).wait()


@jax.jit
def _permute(x_bands, perm32):
    mesh = plsc.VectorSubcoreMesh(core_axis_name="c", subcore_axis_name="s")
    return pl.kernel(
        _permute_body,
        out_type=jax.ShapeDtypeStruct((NBANDS, BD), jnp.float32),
        mesh=mesh,
        compiler_params=pltpu.CompilerParams(
            needs_layout_passes=False,
            use_tc_tiling_on_sc=False,
        ),
        scratch_types=[
            pltpu.VMEM((D,), jnp.int32),
            pltpu.VMEM((BD,), jnp.int32),
            [pltpu.VMEM((BD,), jnp.float32) for _ in range(3)],
            [pltpu.VMEM((BD,), jnp.float32) for _ in range(3)],
            [pltpu.SemaphoreType.DMA for _ in range(3)],
            [pltpu.SemaphoreType.DMA for _ in range(3)],
        ],
    )(x_bands, perm32)


def kernel(x, perm):
    b0, s, _ = x.shape
    x_bands = (
        x.reshape(b0, s // R, R, D // 128, 128)
        .transpose(0, 1, 3, 2, 4)
        .reshape(NBANDS, BD)
    )
    out = _permute(x_bands, perm.astype(jnp.int32))
    return (
        out.reshape(b0, s // R, D // 128, R, 128)
        .transpose(0, 1, 3, 2, 4)
        .reshape(x.shape)
    )

# --- scband reference (transcript-rebuilt; emitter-appended) ---
"""Pipeline reference for scband-permute-layer-32865089749227 (READ-ONLY COPY).

The authoritative reference and input builder live on the scoring server;
editing this copy changes nothing except your own understanding.
"""

import jax, jax.numpy as jnp
import numpy as np

def setup_inputs(seed: int = 0) -> dict:
    key = jax.random.key(seed)
    k1, k2 = jax.random.split(key)
    x = jax.random.normal(k1, (2, 4096, 2048), dtype=jnp.float32)
    # buffer: random permutation of last-dim indices (torch.randperm equivalent)
    perm = jax.random.permutation(k2, 2048).astype(jnp.int64)
    return {"x": x, "perm": perm}

def reference(x, perm):
    # x[..., perm] : gather along last axis
    return jnp.take(x, perm, axis=-1)

if __name__ == "__main__":
    import jax
    _d = setup_inputs()
    print(jax.jit(kernel)(*tuple(_d.values())))

</pallas_src>

<mosaic_0001>
#map = affine_map<(d0, d1) -> (0, 0)>
#map1 = affine_map<(d0, d1) -> (0)>
module attributes {stable_mosaic.version = 14 : i64} {
  func.func @_permute_body(%arg0: i32, %arg1: i32, %arg2: memref<1024x16384xf32, #tpu.memory_space<hbm>>, %arg3: memref<2048xi32, #tpu.memory_space<hbm>>, %arg4: memref<1024x16384xf32, #tpu.memory_space<hbm>>, %arg5: memref<2048xi32, #tpu.memory_space<vmem>>, %arg6: memref<16384xi32, #tpu.memory_space<vmem>>, %arg7: memref<16384xf32, #tpu.memory_space<vmem>>, %arg8: memref<16384xf32, #tpu.memory_space<vmem>>, %arg9: memref<16384xf32, #tpu.memory_space<vmem>>, %arg10: memref<16384xf32, #tpu.memory_space<vmem>>, %arg11: memref<16384xf32, #tpu.memory_space<vmem>>, %arg12: memref<16384xf32, #tpu.memory_space<vmem>>, %arg13: memref<!tpu.dma_semaphore, #tpu.memory_space<semaphore_mem>>, %arg14: memref<!tpu.dma_semaphore, #tpu.memory_space<semaphore_mem>>, %arg15: memref<!tpu.dma_semaphore, #tpu.memory_space<semaphore_mem>>, %arg16: memref<!tpu.dma_semaphore, #tpu.memory_space<semaphore_mem>>, %arg17: memref<!tpu.dma_semaphore, #tpu.memory_space<semaphore_mem>>, %arg18: memref<!tpu.dma_semaphore, #tpu.memory_space<semaphore_mem>>) attributes {dimension_semantics = [#tpu.dimension_semantics<core_parallel>, #tpu.dimension_semantics<subcore_parallel>], iteration_bounds = array<i64: 2, 16>, scalar_prefetch = 0 : i64, scratch_operands = 14 : i64, tpu.core_type = #tpu.core_type<sc_vector_subcore>, window_params = [{transform_indices = #map}, {transform_indices = #map1}, {transform_indices = #map}]} {
    %mul3A = arith.constant 2 : i32
    %mul3A_0 = arith.muli %arg1, %mul3A : i32
    %add3A = arith.addi %mul3A_0, %arg0 : i32
    %mul3A_1 = arith.constant 32 : i32
    %mul3A_2 = arith.muli %add3A, %mul3A_1 : i32
    "tpu.region"() ({
      %run_scoped3A = tpu.sem_alloc : memref<!tpu.dma_semaphore, #tpu.memory_space<semaphore_mem>>
      tpu.enqueue_dma source(%arg3 : memref<2048xi32, #tpu.memory_space<hbm>>) target(%arg5 : memref<2048xi32, #tpu.memory_space<vmem>>) target_semaphore(%run_scoped3A : memref<!tpu.dma_semaphore, #tpu.memory_space<semaphore_mem>>)
      tpu.wait_dma2 semaphore(%run_scoped3A : memref<!tpu.dma_semaphore, #tpu.memory_space<semaphore_mem>>) src(%arg3 : memref<2048xi32, #tpu.memory_space<hbm>>) dst(%arg5 : memref<2048xi32, #tpu.memory_space<vmem>>)
      tpu.yield
    }) : () -> ()
    %scan3A = arith.constant 0 : i32
    %scan3A_3 = arith.constant 16 : i32
    %scan3A_4 = arith.addi %scan3A, %scan3A_3 : i32
    %scan3A_5 = arith.constant 1 : i32
    scf.for %scan3A_111 = %scan3A to %scan3A_4 step %scan3A_5  : i32 {
      %mul3A_112 = arith.constant 1 : i32
      %mul3A_113 = arith.muli %scan3A_111, %mul3A_112 : i32
      %add3A_114 = arith.constant 0 : i32
      %add3A_115 = arith.addi %add3A_114, %mul3A_113 : i32
      %scan3A_116 = arith.constant 0 : i32
      %scan3A_117 = arith.constant 8 : i32
      %scan3A_118 = arith.addi %scan3A_116, %scan3A_117 : i32
      %scan3A_119 = arith.constant 1 : i32
      scf.for %scan3A_121 = %scan3A_116 to %scan3A_118 step %scan3A_119  : i32 {
        %mul3A_122 = arith.constant 1 : i32
        %mul3A_123 = arith.muli %scan3A_121, %mul3A_122 : i32
        %add3A_124 = arith.constant 0 : i32
        %add3A_125 = arith.addi %add3A_124, %mul3A_123 : i32
        %mul3A_126 = arith.constant 128 : i32
        %mul3A_127 = arith.muli %add3A_115, %mul3A_126 : i32
        %add3A_128 = arith.constant 0 : i32
        %add3A_129 = arith.addi %mul3A_127, %add3A_128 : i32
        %get3A = arith.index_cast %add3A_129 : i32 to index
        %get3A_130 = tpu.vector_load %arg5[%get3A] {strides = array<i32>} : memref<2048xi32, #tpu.memory_space<vmem>>, vector<16xi32>,
        %shift_right_arithmetic3A = arith.constant 7 : i32
        %shift_right_arithmetic3A_131 = vector.broadcast %shift_right_arithmetic3A : i32 to vector<16xi32>
        %shift_right_arithmetic3A_132 = arith.shrsi %get3A_130, %shift_right_arithmetic3A_131 : vector<16xi32>
        %shift_left3A = arith.constant 10 : i32
        %shift_left3A_133 = vector.broadcast %shift_left3A : i32 to vector<16xi32>
        %shift_left3A_134 = arith.shli %shift_right_arithmetic3A_132, %shift_left3A_133 : vector<16xi32>
        %and3A = arith.constant 127 : i32
        %and3A_135 = vector.broadcast %and3A : i32 to vector<16xi32>
        %and3A_136 = arith.andi %get3A_130, %and3A_135 : vector<16xi32>
        %add3A_137 = arith.addi %shift_left3A_134, %and3A_136 : vector<16xi32>
        %shift_left3A_138 = arith.constant 7 : i32
        %shift_left3A_139 = arith.shli %add3A_125, %shift_left3A_138 : i32
        %add3A_140 = vector.broadcast %shift_left3A_139 : i32 to vector<16xi32>
        %add3A_141 = arith.addi %add3A_137, %add3A_140 : vector<16xi32>
        %mul3A_142 = arith.constant 1024 : i32
        %mul3A_143 = arith.muli %add3A_115, %mul3A_142 : i32
        %mul3A_144 = arith.constant 128 : i32
        %mul3A_145 = arith.muli %add3A_125, %mul3A_144 : i32
        %add3A_146 = arith.addi %mul3A_143, %mul3A_145 : i32
        %add3A_147 = arith.constant 0 : i32
        %add3A_148 = arith.addi %add3A_146, %add3A_147 : i32
        %swap3A = arith.index_cast %add3A_148 : i32 to index
        %swap3A_149 = tpu.vector_load %arg6[%swap3A] {strides = array<i32>} : memref<16384xi32, #tpu.memory_space<vmem>>, vector<16xi32>,
        tpu.vector_store %arg6[%swap3A], %add3A_141 {strides = array<i32>} : memref<16384xi32, #tpu.memory_space<vmem>>, vector<16xi32>,
        %mul3A_150 = arith.constant 128 : i32
        %mul3A_151 = arith.muli %add3A_115, %mul3A_150 : i32
        %add3A_152 = arith.constant 16 : i32
        %add3A_153 = arith.addi %mul3A_151, %add3A_152 : i32
        %get3A_154 = arith.index_cast %add3A_153 : i32 to index
        %get3A_155 = tpu.vector_load %arg5[%get3A_154] {strides = array<i32>} : memref<2048xi32, #tpu.memory_space<vmem>>, vector<16xi32>,
        %shift_right_arithmetic3A_156 = arith.constant 7 : i32
        %shift_right_arithmetic3A_157 = vector.broadcast %shift_right_arithmetic3A_156 : i32 to vector<16xi32>
        %shift_right_arithmetic3A_158 = arith.shrsi %get3A_155, %shift_right_arithmetic3A_157 : vector<16xi32>
        %shift_left3A_159 = arith.constant 10 : i32
        %shift_left3A_160 = vector.broadcast %shift_left3A_159 : i32 to vector<16xi32>
        %shift_left3A_161 = arith.shli %shift_right_arithmetic3A_158, %shift_left3A_160 : vector<16xi32>
        %and3A_162 = arith.constant 127 : i32
        %and3A_163 = vector.broadcast %and3A_162 : i32 to vector<16xi32>
        %and3A_164 = arith.andi %get3A_155, %and3A_163 : vector<16xi32>
        %add3A_165 = arith.addi %shift_left3A_161, %and3A_164 : vector<16xi32>
        %shift_left3A_166 = arith.constant 7 : i32
        %shift_left3A_167 = arith.shli %add3A_125, %shift_left3A_166 : i32
        %add3A_168 = vector.broadcast %shift_left3A_167 : i32 to vector<16xi32>
        %add3A_169 = arith.addi %add3A_165, %add3A_168 : vector<16xi32>
        %mul3A_170 = arith.constant 1024 : i32
        %mul3A_171 = arith.muli %add3A_115, %mul3A_170 : i32
        %mul3A_172 = arith.constant 128 : i32
        %mul3A_173 = arith.muli %add3A_125, %mul3A_172 : i32
        %add3A_174 = arith.addi %mul3A_171, %mul3A_173 : i32
        %add3A_175 = arith.constant 16 : i32
        %add3A_176 = arith.addi %add3A_174, %add3A_175 : i32
        %swap3A_177 = arith.index_cast %add3A_176 : i32 to index
        %swap3A_178 = tpu.vector_load %arg6[%swap3A_177] {strides = array<i32>} : memref<16384xi32, #tpu.memory_space<vmem>>, vector<16xi32>,
        tpu.vector_store %arg6[%swap3A_177], %add3A_169 {strides = array<i32>} : memref<16384xi32, #tpu.memory_space<vmem>>, vector<16xi32>,
        %mul3A_179 = arith.constant 128 : i32
        %mul3A_180 = arith.muli %add3A_115, %mul3A_179 : i32
        %add3A_181 = arith.constant 32 : i32
        %add3A_182 = arith.addi %mul3A_180, %add3A_181 : i32
        %get3A_183 = arith.index_cast %add3A_182 : i32 to index
        %get3A_184 = tpu.vector_load %arg5[%get3A_183] {strides = array<i32>} : memref<2048xi32, #tpu.memory_space<vmem>>, vector<16xi32>,
        %shift_right_arithmetic3A_185 = arith.constant 7 : i32
        %shift_right_arithmetic3A_186 = vector.broadcast %shift_right_arithmetic3A_185 : i32 to vector<16xi32>
        %shift_right_arithmetic3A_187 = arith.shrsi %get3A_184, %shift_right_arithmetic3A_186 : vector<16xi32>
        %shift_left3A_188 = arith.constant 10 : i32
        %shift_left3A_189 = vector.broadcast %shift_left3A_188 : i32 to vector<16xi32>
        %shift_left3A_190 = arith.shli %shift_right_arithmetic3A_187, %shift_left3A_189 : vector<16xi32>
        %and3A_191 = arith.constant 127 : i32
        %and3A_192 = vector.broadcast %and3A_191 : i32 to vector<16xi32>
        %and3A_193 = arith.andi %get3A_184, %and3A_192 : vector<16xi32>
        %add3A_194 = arith.addi %shift_left3A_190, %and3A_193 : vector<16xi32>
        %shift_left3A_195 = arith.constant 7 : i32
        %shift_left3A_196 = arith.shli %add3A_125, %shift_left3A_195 : i32
        %add3A_197 = vector.broadcast %shift_left3A_196 : i32 to vector<16xi32>
        %add3A_198 = arith.addi %add3A_194, %add3A_197 : vector<16xi32>
        %mul3A_199 = arith.constant 1024 : i32
        %mul3A_200 = arith.muli %add3A_115, %mul3A_199 : i32
        %mul3A_201 = arith.constant 128 : i32
        %mul3A_202 = arith.muli %add3A_125, %mul3A_201 : i32
        %add3A_203 = arith.addi %mul3A_200, %mul3A_202 : i32
        %add3A_204 = arith.constant 32 : i32
        %add3A_205 = arith.addi %add3A_203, %add3A_204 : i32
        %swap3A_206 = arith.index_cast %add3A_205 : i32 to index
        %swap3A_207 = tpu.vector_load %arg6[%swap3A_206] {strides = array<i32>} : memref<16384xi32, #tpu.memory_space<vmem>>, vector<16xi32>,
        tpu.vector_store %arg6[%swap3A_206], %add3A_198 {strides = array<i32>} : memref<16384xi32, #tpu.memory_space<vmem>>, vector<16xi32>,
        %mul3A_208 = arith.constant 128 : i32
        %mul3A_209 = arith.muli %add3A_115, %mul3A_208 : i32
        %add3A_210 = arith.constant 48 : i32
        %add3A_211 = arith.addi %mul3A_209, %add3A_210 : i32
        %get3A_212 = arith.index_cast %add3A_211 : i32 to index
        %get3A_213 = tpu.vector_load %arg5[%get3A_212] {strides = array<i32>} : memref<2048xi32, #tpu.memory_space<vmem>>, vector<16xi32>,
        %shift_right_arithmetic3A_214 = arith.constant 7 : i32
        %shift_right_arithmetic3A_215 = vector.broadcast %shift_right_arithmetic3A_214 : i32 to vector<16xi32>
        %shift_right_arithmetic3A_216 = arith.shrsi %get3A_213, %shift_right_arithmetic3A_215 : vector<16xi32>
        %shift_left3A_217 = arith.constant 10 : i32
        %shift_left3A_218 = vector.broadcast %shift_left3A_217 : i32 to vector<16xi32>
        %shift_left3A_219 = arith.shli %shift_right_arithmetic3A_216, %shift_left3A_218 : vector<16xi32>
        %and3A_220 = arith.constant 127 : i32
        %and3A_221 = vector.broadcast %and3A_220 : i32 to vector<16xi32>
        %and3A_222 = arith.andi %get3A_213, %and3A_221 : vector<16xi32>
        %add3A_223 = arith.addi %shift_left3A_219, %and3A_222 : vector<16xi32>
        %shift_left3A_224 = arith.constant 7 : i32
        %shift_left3A_225 = arith.shli %add3A_125, %shift_left3A_224 : i32
        %add3A_226 = vector.broadcast %shift_left3A_225 : i32 to vector<16xi32>
        %add3A_227 = arith.addi %add3A_223, %add3A_226 : vector<16xi32>
        %mul3A_228 = arith.constant 1024 : i32
        %mul3A_229 = arith.muli %add3A_115, %mul3A_228 : i32
        %mul3A_230 = arith.constant 128 : i32
        %mul3A_231 = arith.muli %add3A_125, %mul3A_230 : i32
        %add3A_232 = arith.addi %mul3A_229, %mul3A_231 : i32
        %add3A_233 = arith.constant 48 : i32
        %add3A_234 = arith.addi %add3A_232, %add3A_233 : i32
        %swap3A_235 = arith.index_cast %add3A_234 : i32 to index
        %swap3A_236 = tpu.vector_load %arg6[%swap3A_235] {strides = array<i32>} : memref<16384xi32, #tpu.memory_space<vmem>>, vector<16xi32>,
        tpu.vector_store %arg6[%swap3A_235], %add3A_227 {strides = array<i32>} : memref<16384xi32, #tpu.memory_space<vmem>>, vector<16xi32>,
        %mul3A_237 = arith.constant 128 : i32
        %mul3A_238 = arith.muli %add3A_115, %mul3A_237 : i32
        %add3A_239 = arith.constant 64 : i32
        %add3A_240 = arith.addi %mul3A_238, %add3A_239 : i32
        %get3A_241 = arith.index_cast %add3A_240 : i32 to index
        %get3A_242 = tpu.vector_load %arg5[%get3A_241] {strides = array<i32>} : memref<2048xi32, #tpu.memory_space<vmem>>, vector<16xi32>,
        %shift_right_arithmetic3A_243 = arith.constant 7 : i32
        %shift_right_arithmetic3A_244 = vector.broadcast %shift_right_arithmetic3A_243 : i32 to vector<16xi32>
        %shift_right_arithmetic3A_245 = arith.shrsi %get3A_242, %shift_right_arithmetic3A_244 : vector<16xi32>
        %shift_left3A_246 = arith.constant 10 : i32
        %shift_left3A_247 = vector.broadcast %shift_left3A_246 : i32 to vector<16xi32>
        %shift_left3A_248 = arith.shli %shift_right_arithmetic3A_245, %shift_left3A_247 : vector<16xi32>
        %and3A_249 = arith.constant 127 : i32
        %and3A_250 = vector.broadcast %and3A_249 : i32 to vector<16xi32>
        %and3A_251 = arith.andi %get3A_242, %and3A_250 : vector<16xi32>
        %add3A_252 = arith.addi %shift_left3A_248, %and3A_251 : vector<16xi32>
        %shift_left3A_253 = arith.constant 7 : i32
        %shift_left3A_254 = arith.shli %add3A_125, %shift_left3A_253 : i32
        %add3A_255 = vector.broadcast %shift_left3A_254 : i32 to vector<16xi32>
        %add3A_256 = arith.addi %add3A_252, %add3A_255 : vector<16xi32>
        %mul3A_257 = arith.constant 1024 : i32
        %mul3A_258 = arith.muli %add3A_115, %mul3A_257 : i32
        %mul3A_259 = arith.constant 128 : i32
        %mul3A_260 = arith.muli %add3A_125, %mul3A_259 : i32
        %add3A_261 = arith.addi %mul3A_258, %mul3A_260 : i32
        %add3A_262 = arith.constant 64 : i32
        %add3A_263 = arith.addi %add3A_261, %add3A_262 : i32
        %swap3A_264 = arith.index_cast %add3A_263 : i32 to index
        %swap3A_265 = tpu.vector_load %arg6[%swap3A_264] {strides = array<i32>} : memref<16384xi32, #tpu.memory_space<vmem>>, vector<16xi32>,
        tpu.vector_store %arg6[%swap3A_264], %add3A_256 {strides = array<i32>} : memref<16384xi32, #tpu.memory_space<vmem>>, vector<16xi32>,
        %mul3A_266 = arith.constant 128 : i32
        %mul3A_267 = arith.muli %add3A_115, %mul3A_266 : i32
        %add3A_268 = arith.constant 80 : i32
        %add3A_269 = arith.addi %mul3A_267, %add3A_268 : i32
        %get3A_270 = arith.index_cast %add3A_269 : i32 to index
        %get3A_271 = tpu.vector_load %arg5[%get3A_270] {strides = array<i32>} : memref<2048xi32, #tpu.memory_space<vmem>>, vector<16xi32>,
        %shift_right_arithmetic3A_272 = arith.constant 7 : i32
        %shift_right_arithmetic3A_273 = vector.broadcast %shift_right_arithmetic3A_272 : i32 to vector<16xi32>
        %shift_right_arithmetic3A_274 = arith.shrsi %get3A_271, %shift_right_arithmetic3A_273 : vector<16xi32>
        %shift_left3A_275 = arith.constant 10 : i32
        %shift_left3A_276 = vector.broadcast %shift_left3A_275 : i32 to vector<16xi32>
        %shift_left3A_277 = arith.shli %shift_right_arithmetic3A_274, %shift_left3A_276 : vector<16xi32>
        %and3A_278 = arith.constant 127 : i32
        %and3A_279 = vector.broadcast %and3A_278 : i32 to vector<16xi32>
        %and3A_280 = arith.andi %get3A_271, %and3A_279 : vector<16xi32>
        %add3A_281 = arith.addi %shift_left3A_277, %and3A_280 : vector<16xi32>
        %shift_left3A_282 = arith.constant 7 : i32
        %shift_left3A_283 = arith.shli %add3A_125, %shift_left3A_282 : i32
        %add3A_284 = vector.broadcast %shift_left3A_283 : i32 to vector<16xi32>
        %add3A_285 = arith.addi %add3A_281, %add3A_284 : vector<16xi32>
        %mul3A_286 = arith.constant 1024 : i32
        %mul3A_287 = arith.muli %add3A_115, %mul3A_286 : i32
        %mul3A_288 = arith.constant 128 : i32
        %mul3A_289 = arith.muli %add3A_125, %mul3A_288 : i32
        %add3A_290 = arith.addi %mul3A_287, %mul3A_289 : i32
        %add3A_291 = arith.constant 80 : i32
        %add3A_292 = arith.addi %add3A_290, %add3A_291 : i32
        %swap3A_293 = arith.index_cast %add3A_292 : i32 to index
        %swap3A_294 = tpu.vector_load %arg6[%swap3A_293] {strides = array<i32>} : memref<16384xi32, #tpu.memory_space<vmem>>, vector<16xi32>,
        tpu.vector_store %arg6[%swap3A_293], %add3A_285 {strides = array<i32>} : memref<16384xi32, #tpu.memory_space<vmem>>, vector<16xi32>,
        %mul3A_295 = arith.constant 128 : i32
        %mul3A_296 = arith.muli %add3A_115, %mul3A_295 : i32
        %add3A_297 = arith.constant 96 : i32
        %add3A_298 = arith.addi %mul3A_296, %add3A_297 : i32
        %get3A_299 = arith.index_cast %add3A_298 : i32 to index
        %get3A_300 = tpu.vector_load %arg5[%get3A_299] {strides = array<i32>} : memref<2048xi32, #tpu.memory_space<vmem>>, vector<16xi32>,
        %shift_right_arithmetic3A_301 = arith.constant 7 : i32
        %shift_right_arithmetic3A_302 = vector.broadcast %shift_right_arithmetic3A_301 : i32 to vector<16xi32>
        %shift_right_arithmetic3A_303 = arith.shrsi %get3A_300, %shift_right_arithmetic3A_302 : vector<16xi32>
        %shift_left3A_304 = arith.constant 10 : i32
        %shift_left3A_305 = vector.broadcast %shift_left3A_304 : i32 to vector<16xi32>
        %shift_left3A_306 = arith.shli %shift_right_arithmetic3A_303, %shift_left3A_305 : vector<16xi32>
        %and3A_307 = arith.constant 127 : i32
        %and3A_308 = vector.broadcast %and3A_307 : i32 to vector<16xi32>
        %and3A_309 = arith.andi %get3A_300, %and3A_308 : vector<16xi32>
        %add3A_310 = arith.addi %shift_left3A_306, %and3A_309 : vector<16xi32>
        %shift_left3A_311 = arith.constant 7 : i32
        %shift_left3A_312 = arith.shli %add3A_125, %shift_left3A_311 : i32
        %add3A_313 = vector.broadcast %shift_left3A_312 : i32 to vector<16xi32>
        %add3A_314 = arith.addi %add3A_310, %add3A_313 : vector<16xi32>
        %mul3A_315 = arith.constant 1024 : i32
        %mul3A_316 = arith.muli %add3A_115, %mul3A_315 : i32
        %mul3A_317 = arith.constant 128 : i32
        %mul3A_318 = arith.muli %add3A_125, %mul3A_317 : i32
        %add3A_319 = arith.addi %mul3A_316, %mul3A_318 : i32
        %add3A_320 = arith.constant 96 : i32
        %add3A_321 = arith.addi %add3A_319, %add3A_320 : i32
        %swap3A_322 = arith.index_cast %add3A_321 : i32 to index
        %swap3A_323 = tpu.vector_load %arg6[%swap3A_322] {strides = array<i32>} : memref<16384xi32, #tpu.memory_space<vmem>>, vector<16xi32>,
        tpu.vector_store %arg6[%swap3A_322], %add3A_314 {strides = array<i32>} : memref<16384xi32, #tpu.memory_space<vmem>>, vector<16xi32>,
        %mul3A_324 = arith.constant 128 : i32
        %mul3A_325 = arith.muli %add3A_115, %mul3A_324 : i32
        %add3A_326 = arith.constant 112 : i32
        %add3A_327 = arith.addi %mul3A_325, %add3A_326 : i32
        %get3A_328 = arith.index_cast %add3A_327 : i32 to index
        %get3A_329 = tpu.vector_load %arg5[%get3A_328] {strides = array<i32>} : memref<2048xi32, #tpu.memory_space<vmem>>, vector<16xi32>,
        %shift_right_arithmetic3A_330 = arith.constant 7 : i32
        %shift_right_arithmetic3A_331 = vector.broadcast %shift_right_arithmetic3A_330 : i32 to vector<16xi32>
        %shift_right_arithmetic3A_332 = arith.shrsi %get3A_329, %shift_right_arithmetic3A_331 : vector<16xi32>
        %shift_left3A_333 = arith.constant 10 : i32
        %shift_left3A_334 = vector.broadcast %shift_left3A_333 : i32 to vector<16xi32>
        %shift_left3A_335 = arith.shli %shift_right_arithmetic3A_332, %shift_left3A_334 : vector<16xi32>
        %and3A_336 = arith.constant 127 : i32
        %and3A_337 = vector.broadcast %and3A_336 : i32 to vector<16xi32>
        %and3A_338 = arith.andi %get3A_329, %and3A_337 : vector<16xi32>
        %add3A_339 = arith.addi %shift_left3A_335, %and3A_338 : vector<16xi32>
        %shift_left3A_340 = arith.constant 7 : i32
        %shift_left3A_341 = arith.shli %add3A_125, %shift_left3A_340 : i32
        %add3A_342 = vector.broadcast %shift_left3A_341 : i32 to vector<16xi32>
        %add3A_343 = arith.addi %add3A_339, %add3A_342 : vector<16xi32>
        %mul3A_344 = arith.constant 1024 : i32
        %mul3A_345 = arith.muli %add3A_115, %mul3A_344 : i32
        %mul3A_346 = arith.constant 128 : i32
        %mul3A_347 = arith.muli %add3A_125, %mul3A_346 : i32
        %add3A_348 = arith.addi %mul3A_345, %mul3A_347 : i32
        %add3A_349 = arith.constant 112 : i32
        %add3A_350 = arith.addi %add3A_348, %add3A_349 : i32
        %swap3A_351 = arith.index_cast %add3A_350 : i32 to index
        %swap3A_352 = tpu.vector_load %arg6[%swap3A_351] {strides = array<i32>} : memref<16384xi32, #tpu.memory_space<vmem>>, vector<16xi32>,
        tpu.vector_store %arg6[%swap3A_351], %add3A_343 {strides = array<i32>} : memref<16384xi32, #tpu.memory_space<vmem>>, vector<16xi32>,
      }
      %scan3A_120 = arith.constant 8 : i32
    }
    %scan3A_6 = arith.constant 16 : i32
    %add3A_7 = arith.constant 0 : i32
    %add3A_8 = arith.addi %mul3A_2, %add3A_7 : i32
    %dma_start3A = arith.constant 0 : i32
    %dma_start3A_9 = tpu.memref_slice %arg2[%add3A_8, %dma_start3A] : memref<1024x16384xf32, #tpu.memory_space<hbm>> -> memref<1x16384xf32, #tpu.memory_space<hbm>>
    %dma_start3A_10 = tpu.memref_squeeze %dma_start3A_9 : memref<1x16384xf32, #tpu.memory_space<hbm>> -> memref<16384xf32, #tpu.memory_space<hbm>>
    %dma_start3A_11 = arith.constant 0 : i32
    %dma_start3A_12 = tpu.memref_slice %arg2[%add3A_8, %dma_start3A_11] : memref<1024x16384xf32, #tpu.memory_space<hbm>> -> memref<1x16384xf32, #tpu.memory_space<hbm>>
    %dma_start3A_13 = tpu.memref_squeeze %dma_start3A_12 : memref<1x16384xf32, #tpu.memory_space<hbm>> -> memref<16384xf32, #tpu.memory_space<hbm>>
    tpu.enqueue_dma source(%dma_start3A_13 : memref<16384xf32, #tpu.memory_space<hbm>>) target(%arg7 : memref<16384xf32, #tpu.memory_space<vmem>>) target_semaphore(%arg13 : memref<!tpu.dma_semaphore, #tpu.memory_space<semaphore_mem>>)
    %add3A_14 = arith.constant 1 : i32
    %add3A_15 = arith.addi %mul3A_2, %add3A_14 : i32
    %dma_start3A_16 = arith.constant 0 : i32
    %dma_start3A_17 = tpu.memref_slice %arg2[%add3A_15, %dma_start3A_16] : memref<1024x16384xf32, #tpu.memory_space<hbm>> -> memref<1x16384xf32, #tpu.memory_space<hbm>>
    %dma_start3A_18 = tpu.memref_squeeze %dma_start3A_17 : memref<1x16384xf32, #tpu.memory_space<hbm>> -> memref<16384xf32, #tpu.memory_space<hbm>>
    %dma_start3A_19 = arith.constant 0 : i32
    %dma_start3A_20 = tpu.memref_slice %arg2[%add3A_15, %dma_start3A_19] : memref<1024x16384xf32, #tpu.memory_space<hbm>> -> memref<1x16384xf32, #tpu.memory_space<hbm>>
    %dma_start3A_21 = tpu.memref_squeeze %dma_start3A_20 : memref<1x16384xf32, #tpu.memory_space<hbm>> -> memref<16384xf32, #tpu.memory_space<hbm>>
    tpu.enqueue_dma source(%dma_start3A_21 : memref<16384xf32, #tpu.memory_space<hbm>>) target(%arg8 : memref<16384xf32, #tpu.memory_space<vmem>>) target_semaphore(%arg14 : memref<!tpu.dma_semaphore, #tpu.memory_space<semaphore_mem>>)
    %add3A_22 = arith.constant 2 : i32
    %add3A_23 = arith.addi %mul3A_2, %add3A_22 : i32
    %dma_start3A_24 = arith.constant 0 : i32
    %dma_start3A_25 = tpu.memref_slice %arg2[%add3A_23, %dma_start3A_24] : memref<1024x16384xf32, #tpu.memory_space<hbm>> -> memref<1x16384xf32, #tpu.memory_space<hbm>>
    %dma_start3A_26 = tpu.memref_squeeze %dma_start3A_25 : memref<1x16384xf32, #tpu.memory_space<hbm>> -> memref<16384xf32, #tpu.memory_space<hbm>>
    %dma_start3A_27 = arith.constant 0 : i32
    %dma_start3A_28 = tpu.memref_slice %arg2[%add3A_23, %dma_start3A_27] : memref<1024x16384xf32, #tpu.memory_space<hbm>> -> memref<1x16384xf32, #tpu.memory_space<hbm>>
    %dma_start3A_29 = tpu.memref_squeeze %dma_start3A_28 : memref<1x16384xf32, #tpu.memory_space<hbm>> -> memref<16384xf32, #tpu.memory_space<hbm>>
    tpu.enqueue_dma source(%dma_start3A_29 : memref<16384xf32, #tpu.memory_space<hbm>>) target(%arg9 : memref<16384xf32, #tpu.memory_space<vmem>>) target_semaphore(%arg15 : memref<!tpu.dma_semaphore, #tpu.memory_space<semaphore_mem>>)
    %scan3A_30 = arith.constant 0 : i32
    %scan3A_31 = arith.constant 10 : i32
    %scan3A_32 = arith.addi %scan3A_30, %scan3A_31 : i32
    %scan3A_33 = arith.constant 1 : i32
    scf.for %scan3A_111 = %scan3A_30 to %scan3A_32 step %scan3A_33  : i32 {
      %mul3A_112 = arith.constant 3 : i32
      %mul3A_113 = arith.muli %scan3A_111, %mul3A_112 : i32
      %add3A_114 = arith.constant 0 : i32
      %add3A_115 = arith.addi %add3A_114, %mul3A_113 : i32
      %add3A_116 = arith.constant 0 : i32
      %add3A_117 = arith.addi %add3A_115, %add3A_116 : i32
      %add3A_118 = arith.addi %mul3A_2, %add3A_117 : i32
      %dma_wait3A_119 = arith.constant 0 : i32
      %dma_wait3A_120 = tpu.memref_slice %arg2[%add3A_118, %dma_wait3A_119] : memref<1024x16384xf32, #tpu.memory_space<hbm>> -> memref<1x16384xf32, #tpu.memory_space<hbm>>
      %dma_wait3A_121 = tpu.memref_squeeze %dma_wait3A_120 : memref<1x16384xf32, #tpu.memory_space<hbm>> -> memref<16384xf32, #tpu.memory_space<hbm>>
      %dma_wait3A_122 = arith.constant 0 : i32
      %dma_wait3A_123 = tpu.memref_slice %arg2[%add3A_118, %dma_wait3A_122] : memref<1024x16384xf32, #tpu.memory_space<hbm>> -> memref<1x16384xf32, #tpu.memory_space<hbm>>
      %dma_wait3A_124 = tpu.memref_squeeze %dma_wait3A_123 : memref<1x16384xf32, #tpu.memory_space<hbm>> -> memref<16384xf32, #tpu.memory_space<hbm>>
      tpu.wait_dma2 semaphore(%arg13 : memref<!tpu.dma_semaphore, #tpu.memory_space<semaphore_mem>>) src(%dma_wait3A_124 : memref<16384xf32, #tpu.memory_space<hbm>>) dst(%arg7 : memref<16384xf32, #tpu.memory_space<vmem>>)
      %ge3A = arith.constant 3 : i32
      %ge3A_125 = arith.cmpi sge, %add3A_117, %ge3A : i32
      %convert_element_type3A = arith.extui %ge3A_125 : i1 to i32
      %cond3A = arith.constant 0 : i32
      %cond3A_126 = arith.cmpi ne, %convert_element_type3A, %cond3A : i32
      scf.if %cond3A_126 {
        %sub3A = arith.constant 3 : i32
        %sub3A_205 = arith.subi %add3A_117, %sub3A : i32
        %add3A_206 = arith.addi %mul3A_2, %sub3A_205 : i32
        %dma_wait3A_207 = arith.constant 0 : i32
        %dma_wait3A_208 = tpu.memref_slice %arg4[%add3A_206, %dma_wait3A_207] : memref<1024x16384xf32, #tpu.memory_space<hbm>> -> memref<1x16384xf32, #tpu.memory_space<hbm>>
        %dma_wait3A_209 = tpu.memref_squeeze %dma_wait3A_208 : memref<1x16384xf32, #tpu.memory_space<hbm>> -> memref<16384xf32, #tpu.memory_space<hbm>>
        %dma_wait3A_210 = arith.constant 0 : i32
        %dma_wait3A_211 = tpu.memref_slice %arg4[%add3A_206, %dma_wait3A_210] : memref<1024x16384xf32, #tpu.memory_space<hbm>> -> memref<1x16384xf32, #tpu.memory_space<hbm>>
        %dma_wait3A_212 = tpu.memref_squeeze %dma_wait3A_211 : memref<1x16384xf32, #tpu.memory_space<hbm>> -> memref<16384xf32, #tpu.memory_space<hbm>>
        tpu.wait_dma2 semaphore(%arg16 : memref<!tpu.dma_semaphore, #tpu.memory_space<semaphore_mem>>) src(%arg10 : memref<16384xf32, #tpu.memory_space<vmem>>) dst(%dma_wait3A_212 : memref<16384xf32, #tpu.memory_space<hbm>>)
      } else {
      }
      %parallel_loop3A_127 = arith.constant 0 : i32
      %parallel_loop3A_128 = arith.constant 16384 : i32
      %parallel_loop3A_129 = arith.constant 16 : i32
      scf.for %parallel_loop3A_205 = %parallel_loop3A_127 to %parallel_loop3A_128 step %parallel_loop3A_129  : i32 {
        %parallel_loop3A_206 = arith.index_cast %parallel_loop3A_205 : i32 to index
        %parallel_loop3A_207 = tpu.vector_load %arg6[%parallel_loop3A_206] {strides = array<i32>} : memref<16384xi32, #tpu.memory_space<vmem>>, vector<16xi32>,
        %parallel_loop3A_208 = tpu.vector_load_idx %arg7[%parallel_loop3A_207] : memref<16384xf32, #tpu.memory_space<vmem>>[vector<16xi32>], vector<16xf32>,
        %parallel_loop3A_209 = arith.index_cast %parallel_loop3A_205 : i32 to index
        %parallel_loop3A_210 = tpu.vector_load %arg10[%parallel_loop3A_209] {strides = array<i32>} : memref<16384xf32, #tpu.memory_space<vmem>>, vector<16xf32>,
        tpu.vector_store %arg10[%parallel_loop3A_209], %parallel_loop3A_208 {strides = array<i32>} : memref<16384xf32, #tpu.memory_space<vmem>>, vector<16xf32>,
      } {sc.loop_unroll_factor = 8 : i64, sc.parallel_access}
      %add3A_130 = arith.addi %mul3A_2, %add3A_117 : i32
      %dma_start3A_131 = arith.constant 0 : i32
      %dma_start3A_132 = tpu.memref_slice %arg4[%add3A_130, %dma_start3A_131] : memref<1024x16384xf32, #tpu.memory_space<hbm>> -> memref<1x16384xf32, #tpu.memory_space<hbm>>
      %dma_start3A_133 = tpu.memref_squeeze %dma_start3A_132 : memref<1x16384xf32, #tpu.memory_space<hbm>> -> memref<16384xf32, #tpu.memory_space<hbm>>
      %dma_start3A_134 = arith.constant 0 : i32
      %dma_start3A_135 = tpu.memref_slice %arg4[%add3A_130, %dma_start3A_134] : memref<1024x16384xf32, #tpu.memory_space<hbm>> -> memref<1x16384xf32, #tpu.memory_space<hbm>>
      %dma_start3A_136 = tpu.memref_squeeze %dma_start3A_135 : memref<1x16384xf32, #tpu.memory_space<hbm>> -> memref<16384xf32, #tpu.memory_space<hbm>>
      tpu.enqueue_dma source(%arg10 : memref<16384xf32, #tpu.memory_space<vmem>>) target(%dma_start3A_136 : memref<16384xf32, #tpu.memory_space<hbm>>) target_semaphore(%arg16 : memref<!tpu.dma_semaphore, #tpu.memory_space<semaphore_mem>>)
      %add3A_137 = arith.constant 3 : i32
      %add3A_138 = arith.addi %add3A_117, %add3A_137 : i32
      %lt3A = arith.constant 32 : i32
      %lt3A_139 = arith.cmpi slt, %add3A_138, %lt3A : i32
      %convert_element_type3A_140 = arith.extui %lt3A_139 : i1 to i32
      %cond3A_141 = arith.constant 0 : i32
      %cond3A_142 = arith.cmpi ne, %convert_element_type3A_140, %cond3A_141 : i32
      scf.if %cond3A_142 {
        %add3A_205 = arith.constant 3 : i32
        %add3A_206 = arith.addi %add3A_117, %add3A_205 : i32
        %add3A_207 = arith.addi %mul3A_2, %add3A_206 : i32
        %dma_start3A_208 = arith.constant 0 : i32
        %dma_start3A_209 = tpu.memref_slice %arg2[%add3A_207, %dma_start3A_208] : memref<1024x16384xf32, #tpu.memory_space<hbm>> -> memref<1x16384xf32, #tpu.memory_space<hbm>>
        %dma_start3A_210 = tpu.memref_squeeze %dma_start3A_209 : memref<1x16384xf32, #tpu.memory_space<hbm>> -> memref<16384xf32, #tpu.memory_space<hbm>>
        %dma_start3A_211 = arith.constant 0 : i32
        %dma_start3A_212 = tpu.memref_slice %arg2[%add3A_207, %dma_start3A_211] : memref<1024x16384xf32, #tpu.memory_space<hbm>> -> memref<1x16384xf32, #tpu.memory_space<hbm>>
        %dma_start3A_213 = tpu.memref_squeeze %dma_start3A_212 : memref<1x16384xf32, #tpu.memory_space<hbm>> -> memref<16384xf32, #tpu.memory_space<hbm>>
        tpu.enqueue_dma source(%dma_start3A_213 : memref<16384xf32, #tpu.memory_space<hbm>>) target(%arg7 : memref<16384xf32, #tpu.memory_space<vmem>>) target_semaphore(%arg13 : memref<!tpu.dma_semaphore, #tpu.memory_space<semaphore_mem>>)
      } else {
      }
      %add3A_143 = arith.constant 1 : i32
      %add3A_144 = arith.addi %add3A_115, %add3A_143 : i32
      %add3A_145 = arith.addi %mul3A_2, %add3A_144 : i32
      %dma_wait3A_146 = arith.constant 0 : i32
      %dma_wait3A_147 = tpu.memref_slice %arg2[%add3A_145, %dma_wait3A_146] : memref<1024x16384xf32, #tpu.memory_space<hbm>> -> memref<1x16384xf32, #tpu.memory_space<hbm>>
      %dma_wait3A_148 = tpu.memref_squeeze %dma_wait3A_147 : memref<1x16384xf32, #tpu.memory_space<hbm>> -> memref<16384xf32, #tpu.memory_space<hbm>>
      %dma_wait3A_149 = arith.constant 0 : i32
      %dma_wait3A_150 = tpu.memref_slice %arg2[%add3A_145, %dma_wait3A_149] : memref<1024x16384xf32, #tpu.memory_space<hbm>> -> memref<1x16384xf32, #tpu.memory_space<hbm>>
      %dma_wait3A_151 = tpu.memref_squeeze %dma_wait3A_150 : memref<1x16384xf32, #tpu.memory_space<hbm>> -> memref<16384xf32, #tpu.memory_space<hbm>>
      tpu.wait_dma2 semaphore(%arg14 : memref<!tpu.dma_semaphore, #tpu.memory_space<semaphore_mem>>) src(%dma_wait3A_151 : memref<16384xf32, #tpu.memory_space<hbm>>) dst(%arg8 : memref<16384xf32, #tpu.memory_space<vmem>>)
      %ge3A_152 = arith.constant 3 : i32
      %ge3A_153 = arith.cmpi sge, %add3A_144, %ge3A_152 : i32
      %convert_element_type3A_154 = arith.extui %ge3A_153 : i1 to i32
      %cond3A_155 = arith.constant 0 : i32
      %cond3A_156 = arith.cmpi ne, %convert_element_type3A_154, %cond3A_155 : i32
      scf.if %cond3A_156 {
        %sub3A = arith.constant 3 : i32
        %sub3A_205 = arith.subi %add3A_144, %sub3A : i32
        %add3A_206 = arith.addi %mul3A_2, %sub3A_205 : i32
        %dma_wait3A_207 = arith.constant 0 : i32
        %dma_wait3A_208 = tpu.memref_slice %arg4[%add3A_206, %dma_wait3A_207] : memref<1024x16384xf32, #tpu.memory_space<hbm>> -> memref<1x16384xf32, #tpu.memory_space<hbm>>
        %dma_wait3A_209 = tpu.memref_squeeze %dma_wait3A_208 : memref<1x16384xf32, #tpu.memory_space<hbm>> -> memref<16384xf32, #tpu.memory_space<hbm>>
        %dma_wait3A_210 = arith.constant 0 : i32
        %dma_wait3A_211 = tpu.memref_slice %arg4[%add3A_206, %dma_wait3A_210] : memref<1024x16384xf32, #tpu.memory_space<hbm>> -> memref<1x16384xf32, #tpu.memory_space<hbm>>
        %dma_wait3A_212 = tpu.memref_squeeze %dma_wait3A_211 : memref<1x16384xf32, #tpu.memory_space<hbm>> -> memref<16384xf32, #tpu.memory_space<hbm>>
        tpu.wait_dma2 semaphore(%arg17 : memref<!tpu.dma_semaphore, #tpu.memory_space<semaphore_mem>>) src(%arg11 : memref<16384xf32, #tpu.memory_space<vmem>>) dst(%dma_wait3A_212 : memref<16384xf32, #tpu.memory_space<hbm>>)
      } else {
      }
      %parallel_loop3A_157 = arith.constant 0 : i32
      %parallel_loop3A_158 = arith.constant 16384 : i32
      %parallel_loop3A_159 = arith.constant 16 : i32
      scf.for %parallel_loop3A_205 = %parallel_loop3A_157 to %parallel_loop3A_158 step %parallel_loop3A_159  : i32 {
        %parallel_loop3A_206 = arith.index_cast %parallel_loop3A_205 : i32 to index
        %parallel_loop3A_207 = tpu.vector_load %arg6[%parallel_loop3A_206] {strides = array<i32>} : memref<16384xi32, #tpu.memory_space<vmem>>, vector<16xi32>,
        %parallel_loop3A_208 = tpu.vector_load_idx %arg8[%parallel_loop3A_207] : memref<16384xf32, #tpu.memory_space<vmem>>[vector<16xi32>], vector<16xf32>,
        %parallel_loop3A_209 = arith.index_cast %parallel_loop3A_205 : i32 to index
        %parallel_loop3A_210 = tpu.vector_load %arg11[%parallel_loop3A_209] {strides = array<i32>} : memref<16384xf32, #tpu.memory_space<vmem>>, vector<16xf32>,
        tpu.vector_store %arg11[%parallel_loop3A_209], %parallel_loop3A_208 {strides = array<i32>} : memref<16384xf32, #tpu.memory_space<vmem>>, vector<16xf32>,
      } {sc.loop_unroll_factor = 8 : i64, sc.parallel_access}
      %add3A_160 = arith.addi %mul3A_2, %add3A_144 : i32
      %dma_start3A_161 = arith.constant 0 : i32
      %dma_start3A_162 = tpu.memref_slice %arg4[%add3A_160, %dma_start3A_161] : memref<1024x16384xf32, #tpu.memory_space<hbm>> -> memref<1x16384xf32, #tpu.memory_space<hbm>>
      %dma_start3A_163 = tpu.memref_squeeze %dma_start3A_162 : memref<1x16384xf32, #tpu.memory_space<hbm>> -> memref<16384xf32, #tpu.memory_space<hbm>>
      %dma_start3A_164 = arith.constant 0 : i32
      %dma_start3A_165 = tpu.memref_slice %arg4[%add3A_160, %dma_start3A_164] : memref<1024x16384xf32, #tpu.memory_space<hbm>> -> memref<1x16384xf32, #tpu.memory_space<hbm>>
      %dma_start3A_166 = tpu.memref_squeeze %dma_start3A_165 : memref<1x16384xf32, #tpu.memory_space<hbm>> -> memref<16384xf32, #tpu.memory_space<hbm>>
      tpu.enqueue_dma source(%arg11 : memref<16384xf32, #tpu.memory_space<vmem>>) target(%dma_start3A_166 : memref<16384xf32, #tpu.memory_space<hbm>>) target_semaphore(%arg17 : memref<!tpu.dma_semaphore, #tpu.memory_space<semaphore_mem>>)
      %add3A_167 = arith.constant 3 : i32
      %add3A_168 = arith.addi %add3A_144, %add3A_167 : i32
      %lt3A_169 = arith.constant 32 : i32
      %lt3A_170 = arith.cmpi slt, %add3A_168, %lt3A_169 : i32
      %convert_element_type3A_171 = arith.extui %lt3A_170 : i1 to i32
      %cond3A_172 = arith.constant 0 : i32
      %cond3A_173 = arith.cmpi ne, %convert_element_type3A_171, %cond3A_172 : i32
      scf.if %cond3A_173 {
        %add3A_205 = arith.constant 3 : i32
        %add3A_206 = arith.addi %add3A_144, %add3A_205 : i32
        %add3A_207 = arith.addi %mul3A_2, %add3A_206 : i32
        %dma_start3A_208 = arith.constant 0 : i32
        %dma_start3A_209 = tpu.memref_slice %arg2[%add3A_207, %dma_start3A_208] : memref<1024x16384xf32, #tpu.memory_space<hbm>> -> memref<1x16384xf32, #tpu.memory_space<hbm>>
        %dma_start3A_210 = tpu.memref_squeeze %dma_start3A_209 : memref<1x16384xf32, #tpu.memory_space<hbm>> -> memref<16384xf32, #tpu.memory_space<hbm>>
        %dma_start3A_211 = arith.constant 0 : i32
        %dma_start3A_212 = tpu.memref_slice %arg2[%add3A_207, %dma_start3A_211] : memref<1024x16384xf32, #tpu.memory_space<hbm>> -> memref<1x16384xf32, #tpu.memory_space<hbm>>
        %dma_start3A_213 = tpu.memref_squeeze %dma_start3A_212 : memref<1x16384xf32, #tpu.memory_space<hbm>> -> memref<16384xf32, #tpu.memory_space<hbm>>
        tpu.enqueue_dma source(%dma_start3A_213 : memref<16384xf32, #tpu.memory_space<hbm>>) target(%arg8 : memref<16384xf32, #tpu.memory_space<vmem>>) target_semaphore(%arg14 : memref<!tpu.dma_semaphore, #tpu.memory_space<semaphore_mem>>)
      } else {
      }
      %add3A_174 = arith.constant 2 : i32
      %add3A_175 = arith.addi %add3A_115, %add3A_174 : i32
      %add3A_176 = arith.addi %mul3A_2, %add3A_175 : i32
      %dma_wait3A_177 = arith.constant 0 : i32
      %dma_wait3A_178 = tpu.memref_slice %arg2[%add3A_176, %dma_wait3A_177] : memref<1024x16384xf32, #tpu.memory_space<hbm>> -> memref<1x16384xf32, #tpu.memory_space<hbm>>
      %dma_wait3A_179 = tpu.memref_squeeze %dma_wait3A_178 : memref<1x16384xf32, #tpu.memory_space<hbm>> -> memref<16384xf32, #tpu.memory_space<hbm>>
      %dma_wait3A_180 = arith.constant 0 : i32
      %dma_wait3A_181 = tpu.memref_slice %arg2[%add3A_176, %dma_wait3A_180] : memref<1024x16384xf32, #tpu.memory_space<hbm>> -> memref<1x16384xf32, #tpu.memory_space<hbm>>
      %dma_wait3A_182 = tpu.memref_squeeze %dma_wait3A_181 : memref<1x16384xf32, #tpu.memory_space<hbm>> -> memref<16384xf32, #tpu.memory_space<hbm>>
      tpu.wait_dma2 semaphore(%arg15 : memref<!tpu.dma_semaphore, #tpu.memory_space<semaphore_mem>>) src(%dma_wait3A_182 : memref<16384xf32, #tpu.memory_space<hbm>>) dst(%arg9 : memref<16384xf32, #tpu.memory_space<vmem>>)
      %ge3A_183 = arith.constant 3 : i32
      %ge3A_184 = arith.cmpi sge, %add3A_175, %ge3A_183 : i32
      %convert_element_type3A_185 = arith.extui %ge3A_184 : i1 to i32
      %cond3A_186 = arith.constant 0 : i32
      %cond3A_187 = arith.cmpi ne, %convert_element_type3A_185, %cond3A_186 : i32
      scf.if %cond3A_187 {
        %sub3A = arith.constant 3 : i32
        %sub3A_205 = arith.subi %add3A_175, %sub3A : i32
        %add3A_206 = arith.addi %mul3A_2, %sub3A_205 : i32
        %dma_wait3A_207 = arith.constant 0 : i32
        %dma_wait3A_208 = tpu.memref_slice %arg4[%add3A_206, %dma_wait3A_207] : memref<1024x16384xf32, #tpu.memory_space<hbm>> -> memref<1x16384xf32, #tpu.memory_space<hbm>>
        %dma_wait3A_209 = tpu.memref_squeeze %dma_wait3A_208 : memref<1x16384xf32, #tpu.memory_space<hbm>> -> memref<16384xf32, #tpu.memory_space<hbm>>
        %dma_wait3A_210 = arith.constant 0 : i32
        %dma_wait3A_211 = tpu.memref_slice %arg4[%add3A_206, %dma_wait3A_210] : memref<1024x16384xf32, #tpu.memory_space<hbm>> -> memref<1x16384xf32, #tpu.memory_space<hbm>>
        %dma_wait3A_212 = tpu.memref_squeeze %dma_wait3A_211 : memref<1x16384xf32, #tpu.memory_space<hbm>> -> memref<16384xf32, #tpu.memory_space<hbm>>
        tpu.wait_dma2 semaphore(%arg18 : memref<!tpu.dma_semaphore, #tpu.memory_space<semaphore_mem>>) src(%arg12 : memref<16384xf32, #tpu.memory_space<vmem>>) dst(%dma_wait3A_212 : memref<16384xf32, #tpu.memory_space<hbm>>)
      } else {
      }
      %parallel_loop3A_188 = arith.constant 0 : i32
      %parallel_loop3A_189 = arith.constant 16384 : i32
      %parallel_loop3A_190 = arith.constant 16 : i32
      scf.for %parallel_loop3A_205 = %parallel_loop3A_188 to %parallel_loop3A_189 step %parallel_loop3A_190  : i32 {
        %parallel_loop3A_206 = arith.index_cast %parallel_loop3A_205 : i32 to index
        %parallel_loop3A_207 = tpu.vector_load %arg6[%parallel_loop3A_206] {strides = array<i32>} : memref<16384xi32, #tpu.memory_space<vmem>>, vector<16xi32>,
        %parallel_loop3A_208 = tpu.vector_load_idx %arg9[%parallel_loop3A_207] : memref<16384xf32, #tpu.memory_space<vmem>>[vector<16xi32>], vector<16xf32>,
        %parallel_loop3A_209 = arith.index_cast %parallel_loop3A_205 : i32 to index
        %parallel_loop3A_210 = tpu.vector_load %arg12[%parallel_loop3A_209] {strides = array<i32>} : memref<16384xf32, #tpu.memory_space<vmem>>, vector<16xf32>,
        tpu.vector_store %arg12[%parallel_loop3A_209], %parallel_loop3A_208 {strides = array<i32>} : memref<16384xf32, #tpu.memory_space<vmem>>, vector<16xf32>,
      } {sc.loop_unroll_factor = 8 : i64, sc.parallel_access}
      %add3A_191 = arith.addi %mul3A_2, %add3A_175 : i32
      %dma_start3A_192 = arith.constant 0 : i32
      %dma_start3A_193 = tpu.memref_slice %arg4[%add3A_191, %dma_start3A_192] : memref<1024x16384xf32, #tpu.memory_space<hbm>> -> memref<1x16384xf32, #tpu.memory_space<hbm>>
      %dma_start3A_194 = tpu.memref_squeeze %dma_start3A_193 : memref<1x16384xf32, #tpu.memory_space<hbm>> -> memref<16384xf32, #tpu.memory_space<hbm>>
      %dma_start3A_195 = arith.constant 0 : i32
      %dma_start3A_196 = tpu.memref_slice %arg4[%add3A_191, %dma_start3A_195] : memref<1024x16384xf32, #tpu.memory_space<hbm>> -> memref<1x16384xf32, #tpu.memory_space<hbm>>
      %dma_start3A_197 = tpu.memref_squeeze %dma_start3A_196 : memref<1x16384xf32, #tpu.memory_space<hbm>> -> memref<16384xf32, #tpu.memory_space<hbm>>
      tpu.enqueue_dma source(%arg12 : memref<16384xf32, #tpu.memory_space<vmem>>) target(%dma_start3A_197 : memref<16384xf32, #tpu.memory_space<hbm>>) target_semaphore(%arg18 : memref<!tpu.dma_semaphore, #tpu.memory_space<semaphore_mem>>)
      %add3A_198 = arith.constant 3 : i32
      %add3A_199 = arith.addi %add3A_175, %add3A_198 : i32
      %lt3A_200 = arith.constant 32 : i32
      %lt3A_201 = arith.cmpi slt, %add3A_199, %lt3A_200 : i32
      %convert_element_type3A_202 = arith.extui %lt3A_201 : i1 to i32
      %cond3A_203 = arith.constant 0 : i32
      %cond3A_204 = arith.cmpi ne, %convert_element_type3A_202, %cond3A_203 : i32
      scf.if %cond3A_204 {
        %add3A_205 = arith.constant 3 : i32
        %add3A_206 = arith.addi %add3A_175, %add3A_205 : i32
        %add3A_207 = arith.addi %mul3A_2, %add3A_206 : i32
        %dma_start3A_208 = arith.constant 0 : i32
        %dma_start3A_209 = tpu.memref_slice %arg2[%add3A_207, %dma_start3A_208] : memref<1024x16384xf32, #tpu.memory_space<hbm>> -> memref<1x16384xf32, #tpu.memory_space<hbm>>
        %dma_start3A_210 = tpu.memref_squeeze %dma_start3A_209 : memref<1x16384xf32, #tpu.memory_space<hbm>> -> memref<16384xf32, #tpu.memory_space<hbm>>
        %dma_start3A_211 = arith.constant 0 : i32
        %dma_start3A_212 = tpu.memref_slice %arg2[%add3A_207, %dma_start3A_211] : memref<1024x16384xf32, #tpu.memory_space<hbm>> -> memref<1x16384xf32, #tpu.memory_space<hbm>>
        %dma_start3A_213 = tpu.memref_squeeze %dma_start3A_212 : memref<1x16384xf32, #tpu.memory_space<hbm>> -> memref<16384xf32, #tpu.memory_space<hbm>>
        tpu.enqueue_dma source(%dma_start3A_213 : memref<16384xf32, #tpu.memory_space<hbm>>) target(%arg9 : memref<16384xf32, #tpu.memory_space<vmem>>) target_semaphore(%arg15 : memref<!tpu.dma_semaphore, #tpu.memory_space<semaphore_mem>>)
      } else {
      }
    }
    %scan3A_34 = arith.constant 10 : i32
    %add3A_35 = arith.constant 30 : i32
    %add3A_36 = arith.addi %mul3A_2, %add3A_35 : i32
    %dma_wait3A = arith.constant 0 : i32
    %dma_wait3A_37 = tpu.memref_slice %arg2[%add3A_36, %dma_wait3A] : memref<1024x16384xf32, #tpu.memory_space<hbm>> -> memref<1x16384xf32, #tpu.memory_space<hbm>>
    %dma_wait3A_38 = tpu.memref_squeeze %dma_wait3A_37 : memref<1x16384xf32, #tpu.memory_space<hbm>> -> memref<16384xf32, #tpu.memory_space<hbm>>
    %dma_wait3A_39 = arith.constant 0 : i32
    %dma_wait3A_40 = tpu.memref_slice %arg2[%add3A_36, %dma_wait3A_39] : memref<1024x16384xf32, #tpu.memory_space<hbm>> -> memref<1x16384xf32, #tpu.memory_space<hbm>>
    %dma_wait3A_41 = tpu.memref_squeeze %dma_wait3A_40 : memref<1x16384xf32, #tpu.memory_space<hbm>> -> memref<16384xf32, #tpu.memory_space<hbm>>
    tpu.wait_dma2 semaphore(%arg13 : memref<!tpu.dma_semaphore, #tpu.memory_space<semaphore_mem>>) src(%dma_wait3A_41 : memref<16384xf32, #tpu.memory_space<hbm>>) dst(%arg7 : memref<16384xf32, #tpu.memory_space<vmem>>)
    %add3A_42 = arith.constant 27 : i32
    %add3A_43 = arith.addi %mul3A_2, %add3A_42 : i32
    %dma_wait3A_44 = arith.constant 0 : i32
    %dma_wait3A_45 = tpu.memref_slice %arg4[%add3A_43, %dma_wait3A_44] : memref<1024x16384xf32, #tpu.memory_space<hbm>> -> memref<1x16384xf32, #tpu.memory_space<hbm>>
    %dma_wait3A_46 = tpu.memref_squeeze %dma_wait3A_45 : memref<1x16384xf32, #tpu.memory_space<hbm>> -> memref<16384xf32, #tpu.memory_space<hbm>>
    %dma_wait3A_47 = arith.constant 0 : i32
    %dma_wait3A_48 = tpu.memref_slice %arg4[%add3A_43, %dma_wait3A_47] : memref<1024x16384xf32, #tpu.memory_space<hbm>> -> memref<1x16384xf32, #tpu.memory_space<hbm>>
    %dma_wait3A_49 = tpu.memref_squeeze %dma_wait3A_48 : memref<1x16384xf32, #tpu.memory_space<hbm>> -> memref<16384xf32, #tpu.memory_space<hbm>>
    tpu.wait_dma2 semaphore(%arg16 : memref<!tpu.dma_semaphore, #tpu.memory_space<semaphore_mem>>) src(%arg10 : memref<16384xf32, #tpu.memory_space<vmem>>) dst(%dma_wait3A_49 : memref<16384xf32, #tpu.memory_space<hbm>>)
    %parallel_loop3A = arith.constant 0 : i32
    %parallel_loop3A_50 = arith.constant 16384 : i32
    %parallel_loop3A_51 = arith.constant 16 : i32
    scf.for %parallel_loop3A_111 = %parallel_loop3A to %parallel_loop3A_50 step %parallel_loop3A_51  : i32 {
      %parallel_loop3A_112 = arith.index_cast %parallel_loop3A_111 : i32 to index
      %parallel_loop3A_113 = tpu.vector_load %arg6[%parallel_loop3A_112] {strides = array<i32>} : memref<16384xi32, #tpu.memory_space<vmem>>, vector<16xi32>,
      %parallel_loop3A_114 = tpu.vector_load_idx %arg7[%parallel_loop3A_113] : memref<16384xf32, #tpu.memory_space<vmem>>[vector<16xi32>], vector<16xf32>,
      %parallel_loop3A_115 = arith.index_cast %parallel_loop3A_111 : i32 to index
      %parallel_loop3A_116 = tpu.vector_load %arg10[%parallel_loop3A_115] {strides = array<i32>} : memref<16384xf32, #tpu.memory_space<vmem>>, vector<16xf32>,
      tpu.vector_store %arg10[%parallel_loop3A_115], %parallel_loop3A_114 {strides = array<i32>} : memref<16384xf32, #tpu.memory_space<vmem>>, vector<16xf32>,
    } {sc.loop_unroll_factor = 8 : i64, sc.parallel_access}
    %add3A_52 = arith.constant 30 : i32
    %add3A_53 = arith.addi %mul3A_2, %add3A_52 : i32
    %dma_start3A_54 = arith.constant 0 : i32
    %dma_start3A_55 = tpu.memref_slice %arg4[%add3A_53, %dma_start3A_54] : memref<1024x16384xf32, #tpu.memory_space<hbm>> -> memref<1x16384xf32, #tpu.memory_space<hbm>>
    %dma_start3A_56 = tpu.memref_squeeze %dma_start3A_55 : memref<1x16384xf32, #tpu.memory_space<hbm>> -> memref<16384xf32, #tpu.memory_space<hbm>>
    %dma_start3A_57 = arith.constant 0 : i32
    %dma_start3A_58 = tpu.memref_slice %arg4[%add3A_53, %dma_start3A_57] : memref<1024x16384xf32, #tpu.memory_space<hbm>> -> memref<1x16384xf32, #tpu.memory_space<hbm>>
    %dma_start3A_59 = tpu.memref_squeeze %dma_start3A_58 : memref<1x16384xf32, #tpu.memory_space<hbm>> -> memref<16384xf32, #tpu.memory_space<hbm>>
    tpu.enqueue_dma source(%arg10 : memref<16384xf32, #tpu.memory_space<vmem>>) target(%dma_start3A_59 : memref<16384xf32, #tpu.memory_space<hbm>>) target_semaphore(%arg16 : memref<!tpu.dma_semaphore, #tpu.memory_space<semaphore_mem>>)
    %add3A_60 = arith.constant 31 : i32
    %add3A_61 = arith.addi %mul3A_2, %add3A_60 : i32
    %dma_wait3A_62 = arith.constant 0 : i32
    %dma_wait3A_63 = tpu.memref_slice %arg2[%add3A_61, %dma_wait3A_62] : memref<1024x16384xf32, #tpu.memory_space<hbm>> -> memref<1x16384xf32, #tpu.memory_space<hbm>>
    %dma_wait3A_64 = tpu.memref_squeeze %dma_wait3A_63 : memref<1x16384xf32, #tpu.memory_space<hbm>> -> memref<16384xf32, #tpu.memory_space<hbm>>
    %dma_wait3A_65 = arith.constant 0 : i32
    %dma_wait3A_66 = tpu.memref_slice %arg2[%add3A_61, %dma_wait3A_65] : memref<1024x16384xf32, #tpu.memory_space<hbm>> -> memref<1x16384xf32, #tpu.memory_space<hbm>>
    %dma_wait3A_67 = tpu.memref_squeeze %dma_wait3A_66 : memref<1x16384xf32, #tpu.memory_space<hbm>> -> memref<16384xf32, #tpu.memory_space<hbm>>
    tpu.wait_dma2 semaphore(%arg14 : memref<!tpu.dma_semaphore, #tpu.memory_space<semaphore_mem>>) src(%dma_wait3A_67 : memref<16384xf32, #tpu.memory_space<hbm>>) dst(%arg8 : memref<16384xf32, #tpu.memory_space<vmem>>)
    %add3A_68 = arith.constant 28 : i32
    %add3A_69 = arith.addi %mul3A_2, %add3A_68 : i32
    %dma_wait3A_70 = arith.constant 0 : i32
    %dma_wait3A_71 = tpu.memref_slice %arg4[%add3A_69, %dma_wait3A_70] : memref<1024x16384xf32, #tpu.memory_space<hbm>> -> memref<1x16384xf32, #tpu.memory_space<hbm>>
    %dma_wait3A_72 = tpu.memref_squeeze %dma_wait3A_71 : memref<1x16384xf32, #tpu.memory_space<hbm>> -> memref<16384xf32, #tpu.memory_space<hbm>>
    %dma_wait3A_73 = arith.constant 0 : i32
    %dma_wait3A_74 = tpu.memref_slice %arg4[%add3A_69, %dma_wait3A_73] : memref<1024x16384xf32, #tpu.memory_space<hbm>> -> memref<1x16384xf32, #tpu.memory_space<hbm>>
    %dma_wait3A_75 = tpu.memref_squeeze %dma_wait3A_74 : memref<1x16384xf32, #tpu.memory_space<hbm>> -> memref<16384xf32, #tpu.memory_space<hbm>>
    tpu.wait_dma2 semaphore(%arg17 : memref<!tpu.dma_semaphore, #tpu.memory_space<semaphore_mem>>) src(%arg11 : memref<16384xf32, #tpu.memory_space<vmem>>) dst(%dma_wait3A_75 : memref<16384xf32, #tpu.memory_space<hbm>>)
    %parallel_loop3A_76 = arith.constant 0 : i32
    %parallel_loop3A_77 = arith.constant 16384 : i32
    %parallel_loop3A_78 = arith.constant 16 : i32
    scf.for %parallel_loop3A_111 = %parallel_loop3A_76 to %parallel_loop3A_77 step %parallel_loop3A_78  : i32 {
      %parallel_loop3A_112 = arith.index_cast %parallel_loop3A_111 : i32 to index
      %parallel_loop3A_113 = tpu.vector_load %arg6[%parallel_loop3A_112] {strides = array<i32>} : memref<16384xi32, #tpu.memory_space<vmem>>, vector<16xi32>,
      %parallel_loop3A_114 = tpu.vector_load_idx %arg8[%parallel_loop3A_113] : memref<16384xf32, #tpu.memory_space<vmem>>[vector<16xi32>], vector<16xf32>,
      %parallel_loop3A_115 = arith.index_cast %parallel_loop3A_111 : i32 to index
      %parallel_loop3A_116 = tpu.vector_load %arg11[%parallel_loop3A_115] {strides = array<i32>} : memref<16384xf32, #tpu.memory_space<vmem>>, vector<16xf32>,
      tpu.vector_store %arg11[%parallel_loop3A_115], %parallel_loop3A_114 {strides = array<i32>} : memref<16384xf32, #tpu.memory_space<vmem>>, vector<16xf32>,
    } {sc.loop_unroll_factor = 8 : i64, sc.parallel_access}
    %add3A_79 = arith.constant 31 : i32
    %add3A_80 = arith.addi %mul3A_2, %add3A_79 : i32
    %dma_start3A_81 = arith.constant 0 : i32
    %dma_start3A_82 = tpu.memref_slice %arg4[%add3A_80, %dma_start3A_81] : memref<1024x16384xf32, #tpu.memory_space<hbm>> -> memref<1x16384xf32, #tpu.memory_space<hbm>>
    %dma_start3A_83 = tpu.memref_squeeze %dma_start3A_82 : memref<1x16384xf32, #tpu.memory_space<hbm>> -> memref<16384xf32, #tpu.memory_space<hbm>>
    %dma_start3A_84 = arith.constant 0 : i32
    %dma_start3A_85 = tpu.memref_slice %arg4[%add3A_80, %dma_start3A_84] : memref<1024x16384xf32, #tpu.memory_space<hbm>> -> memref<1x16384xf32, #tpu.memory_space<hbm>>
    %dma_start3A_86 = tpu.memref_squeeze %dma_start3A_85 : memref<1x16384xf32, #tpu.memory_space<hbm>> -> memref<16384xf32, #tpu.memory_space<hbm>>
    tpu.enqueue_dma source(%arg11 : memref<16384xf32, #tpu.memory_space<vmem>>) target(%dma_start3A_86 : memref<16384xf32, #tpu.memory_space<hbm>>) target_semaphore(%arg17 : memref<!tpu.dma_semaphore, #tpu.memory_space<semaphore_mem>>)
    %add3A_87 = arith.constant 29 : i32
    %add3A_88 = arith.addi %mul3A_2, %add3A_87 : i32
    %dma_wait3A_89 = arith.constant 0 : i32
    %dma_wait3A_90 = tpu.memref_slice %arg4[%add3A_88, %dma_wait3A_89] : memref<1024x16384xf32, #tpu.memory_space<hbm>> -> memref<1x16384xf32, #tpu.memory_space<hbm>>
    %dma_wait3A_91 = tpu.memref_squeeze %dma_wait3A_90 : memref<1x16384xf32, #tpu.memory_space<hbm>> -> memref<16384xf32, #tpu.memory_space<hbm>>
    %dma_wait3A_92 = arith.constant 0 : i32
    %dma_wait3A_93 = tpu.memref_slice %arg4[%add3A_88, %dma_wait3A_92] : memref<1024x16384xf32, #tpu.memory_space<hbm>> -> memref<1x16384xf32, #tpu.memory_space<hbm>>
    %dma_wait3A_94 = tpu.memref_squeeze %dma_wait3A_93 : memref<1x16384xf32, #tpu.memory_space<hbm>> -> memref<16384xf32, #tpu.memory_space<hbm>>
    tpu.wait_dma2 semaphore(%arg18 : memref<!tpu.dma_semaphore, #tpu.memory_space<semaphore_mem>>) src(%arg12 : memref<16384xf32, #tpu.memory_space<vmem>>) dst(%dma_wait3A_94 : memref<16384xf32, #tpu.memory_space<hbm>>)
    %add3A_95 = arith.constant 30 : i32
    %add3A_96 = arith.addi %mul3A_2, %add3A_95 : i32
    %dma_wait3A_97 = arith.constant 0 : i32
    %dma_wait3A_98 = tpu.memref_slice %arg4[%add3A_96, %dma_wait3A_97] : memref<1024x16384xf32, #tpu.memory_space<hbm>> -> memref<1x16384xf32, #tpu.memory_space<hbm>>
    %dma_wait3A_99 = tpu.memref_squeeze %dma_wait3A_98 : memref<1x16384xf32, #tpu.memory_space<hbm>> -> memref<16384xf32, #tpu.memory_space<hbm>>
    %dma_wait3A_100 = arith.constant 0 : i32
    %dma_wait3A_101 = tpu.memref_slice %arg4[%add3A_96, %dma_wait3A_100] : memref<1024x16384xf32, #tpu.memory_space<hbm>> -> memref<1x16384xf32, #tpu.memory_space<hbm>>
    %dma_wait3A_102 = tpu.memref_squeeze %dma_wait3A_101 : memref<1x16384xf32, #tpu.memory_space<hbm>> -> memref<16384xf32, #tpu.memory_space<hbm>>
    tpu.wait_dma2 semaphore(%arg16 : memref<!tpu.dma_semaphore, #tpu.memory_space<semaphore_mem>>) src(%arg10 : memref<16384xf32, #tpu.memory_space<vmem>>) dst(%dma_wait3A_102 : memref<16384xf32, #tpu.memory_space<hbm>>)
    %add3A_103 = arith.constant 31 : i32
    %add3A_104 = arith.addi %mul3A_2, %add3A_103 : i32
    %dma_wait3A_105 = arith.constant 0 : i32
    %dma_wait3A_106 = tpu.memref_slice %arg4[%add3A_104, %dma_wait3A_105] : memref<1024x16384xf32, #tpu.memory_space<hbm>> -> memref<1x16384xf32, #tpu.memory_space<hbm>>
    %dma_wait3A_107 = tpu.memref_squeeze %dma_wait3A_106 : memref<1x16384xf32, #tpu.memory_space<hbm>> -> memref<16384xf32, #tpu.memory_space<hbm>>
    %dma_wait3A_108 = arith.constant 0 : i32
    %dma_wait3A_109 = tpu.memref_slice %arg4[%add3A_104, %dma_wait3A_108] : memref<1024x16384xf32, #tpu.memory_space<hbm>> -> memref<1x16384xf32, #tpu.memory_space<hbm>>
    %dma_wait3A_110 = tpu.memref_squeeze %dma_wait3A_109 : memref<1x16384xf32, #tpu.memory_space<hbm>> -> memref<16384xf32, #tpu.memory_space<hbm>>
    tpu.wait_dma2 semaphore(%arg17 : memref<!tpu.dma_semaphore, #tpu.memory_space<semaphore_mem>>) src(%arg11 : memref<16384xf32, #tpu.memory_space<vmem>>) dst(%dma_wait3A_110 : memref<16384xf32, #tpu.memory_space<hbm>>)
    return
  }
}

</mosaic_0001>

<sc_bundles>
// kernel: _permute.3.cloned.1.call-start
scs
__scs_entry_jumppad:
0x0: {  	(pc) =	sbr.rel $0x88, $3  }
0x1: {  	(tag) =	ssettag $0x0;
	lr =	simm.s32 $0x1  }
0x2: {  	[smem:$0x3F9F] =	sst lr;
	_ =	strace $0xD0000000  }
0x3: {  	_ = 	snop  }
0x4: {  	_ = 	snop  }
0x5: {  	_ = 	snop  }
0x6: {  	_ = 	snop  }
0x7: {  	_ = 	snop  }
__scs_overlays_trampoline_lowered:
0x8: {  	[smem:$0x3FAE] =	sst s0  }
0x9: {  	[smem:$0x3FAF] =	sst s1  }
0xa: {  	[smem:$0x3FB0] =	sst s2  }
0xb: {  	[smem:$0x3FB1] =	sst s3  }
0xc: {  	[smem:$0x3FB2] =	sst s4  }
0xd: {  	[smem:$0x3FB3] =	sst s5  }
0xe: {  	[smem:$0x3FB4] =	sst s6  }
0xf: {  	[smem:$0x3FB5] =	sst s7  }
0x10: {  	[smem:$0x3FB6] =	sst s8  }
0x11: {  	[smem:$0x3FB7] =	sst s9;
	s0 =	simm.s32 @!p0 $0x0  }
0x12: {  	s1 =	sld [smem:$0x3F9D];
	s0 =	simm.s32 @p0 $0x1  }
0x13: {  	[smem:$0x3FB8] =	sst s0;
	s0 =	simm.s32 @!p1 $0x0  }
0x14: {  	s2 =	sld [smem:$0x3F9C];
	s0 =	simm.s32 @p1 $0x1  }
0x15: {  	[smem:$0x3FB9] =	sst s0;
	s0 =	simm.s32 @!p2 $0x0  }
0x16: {  	s3 =	sld [smem:$0x3FDB];
	s0 =	simm.s32 @p2 $0x1  }
0x17: {  	s4 =	simm.s32 $0x1BF5;
	[smem:$0x3FBB] =	sst s0  }
0x18: {  	s0 =	sld [smem:$0x3F9E];
	_ =	swait.ge [sflag:s4], $0x0  }
0x19: {  	s7 =	sld [smem:$0x3F9F]  }
0x1a: {  	s8 =	sadd.s32 $0xFFFFE003, lr  }
0x1b: {  	s9 =	sadd.s32 $0xFFFFFEF7, lr;
	s5 =	simm.s32 $0xFFFFFFFF;
	p2 =	slt.u32 s8, $0xFFFFF086  }
0x1c: {  	p1 =	slt.u32 s9, $0xF7A;
	s5 =	simm.s32 @!p2 $0x0  }
0x1d: {  	s5 =	simm.s32 @p1 $0x1;
	p0 =	seq.s32 s7, s2  }
0x1e: {  	s7 =	smul.u32 @!p0 $0xF7A, s2;
	p2 =	seq.s32 @!p0 s5, $0x0  }
0x1f: {  	s9 =	smul.u32 $0xF7A, s1;
	s8 =	simm.s32 @!p0 $0x1BF5;
	p2 =	por !p2, p0  }
0x20: {  	[sflag:s8] =	ssyncset.s32 @!p0 $0xFFFFF086;
	s6 =	sadd.s32 @!p0 s3, s7;
	s7 =	simm.s32 @!p0 $0x108  }
0x21: {  	s3 =	sadd.s32 s3, s9;
	s6 =	sadd.s32 @!p0 $0x88, s6;
	s7 =	simm.s32 @p2 $0x1082  }
0x22: {  	[simem:s7], [sflag:s8] =	dma.local @!p0 [hbm:s6], $0xF7A  }
0x23: {  	s9 =	sor.u32 $0xD0000000, s2;
	s6 =	simm.s32 $0x108;
	_ =	swait.ge @!p0 [sflag:s8], $0x0  }
0x24: {  	s3 =	sadd.s32 $0x88, s3;
	s6 =	simm.s32 @!p1 $0x1082;
	[sflag:s4] =	ssyncset.s32 $0xFFFFF086  }
0x25: {  	[simem:s6], [sflag:s4] =	dma.local [hbm:s3], $0xF7A  }
0x26: {  	[smem:$0x3F9F] =	sst s1;
	(tag) =	ssettag s2;
	_ =	strace s9  }
0x27: {  	s1 =	sld [smem:$0x3FAF]  }
0x28: {  	s2 =	sld [smem:$0x3FB0]  }
0x29: {  	s4 =	sld [smem:$0x3FB2]  }
0x2a: {  	p0 =	seq.s32 s5, $0x0;
	s5 =	sld [smem:$0x3FB3]  }
0x2b: {  	s6 =	sld [smem:$0x3FB4]  }
0x2c: {  	s7 =	sld [smem:$0x3FB5]  }
0x2d: {  	s3 =	simm.s32 $0x108;
	s8 =	sld [smem:$0x3FB6]  }
0x2e: {  	s3 =	simm.s32 @!p0 $0x1082;
	s9 =	sld [smem:$0x3FB7]  }
0x2f: {  	lr =	sadd.s32 s0, s3;
	s0 =	sld [smem:$0x3FAE]  }
0x30: {  	s3 =	sld [smem:$0x3FB1]  }
0x31: {  	[smem:$0x3FBA] =	sst s10  }
0x32: {  	s10 =	sld [smem:$0x3FB8];
	_ =	sdelay $0x3  }
0x33: {  	p0 =	seq.s32 s10, $0x1;
	s10 =	sld [smem:$0x3FBA];
	_ =	sdelay $0x3  }
0x34: {  	[smem:$0x3FBA] =	sst s10  }
0x35: {  	s10 =	sld [smem:$0x3FB9];
	_ =	sdelay $0x3  }
0x36: {  	p1 =	seq.s32 s10, $0x1;
	s10 =	sld [smem:$0x3FBA];
	_ =	sdelay $0x3  }
0x37: {  	[smem:$0x3FBA] =	sst s10  }
0x38: {  	s10 =	sld [smem:$0x3FBB]  }
0x39: {  	_ = 	snop;
	(pc) =	sbr.ind lr, $3  }
0x3a: {  	_ = 	snop  }
0x3b: {  	_ = 	snop  }
0x3c: {  	p2 =	seq.s32 s10, $0x1;
	s10 =	sld [smem:$0x3FBA]  }
0x3d: {  	_ =	shalt  }
0x3e: {  	_ =	shalt  }
0x3f: {  	_ =	shalt  }
0x40: {  	_ =	shalt  }
0x41: {  	_ =	shalt  }
0x42: {  	_ =	shalt  }
0x43: {  	_ =	shalt  }
0x44: {  	_ =	shalt  }
0x45: {  	_ =	shalt  }
0x46: {  	_ =	shalt  }
0x47: {  	_ =	shalt  }
0x48: {  	_ =	shalt  }
0x49: {  	_ =	shalt  }
0x4a: {  	_ =	shalt  }
0x4b: {  	_ =	shalt  }
0x4c: {  	_ =	shalt  }
0x4d: {  	_ =	shalt  }
0x4e: {  	_ =	shalt  }
0x4f: {  	_ =	shalt  }
0x50: {  	_ =	shalt  }
0x51: {  	_ =	shalt  }
0x52: {  	_ =	shalt  }
0x53: {  	_ =	shalt  }
0x54: {  	_ =	shalt  }
0x55: {  	_ =	shalt  }
0x56: {  	_ =	shalt  }
0x57: {  	_ =	shalt  }
0x58: {  	_ =	shalt  }
0x59: {  	_ =	shalt  }
0x5a: {  	_ =	shalt  }
0x5b: {  	_ =	shalt  }
0x5c: {  	_ =	shalt  }
0x5d: {  	_ =	shalt  }
0x5e: {  	_ =	shalt  }
0x5f: {  	_ =	shalt  }
0x60: {  	_ =	shalt  }
0x61: {  	_ =	shalt  }
0x62: {  	_ =	shalt  }
0x63: {  	_ =	shalt  }
0x64: {  	_ =	shalt  }
0x65: {  	_ =	shalt  }
0x66: {  	_ =	shalt  }
0x67: {  	_ =	shalt  }
0x68: {  	_ =	shalt  }
0x69: {  	_ =	shalt  }
0x6a: {  	_ =	shalt  }
0x6b: {  	_ =	shalt  }
0x6c: {  	_ =	shalt  }
0x6d: {  	_ =	shalt  }
0x6e: {  	_ =	shalt  }
0x6f: {  	_ =	shalt  }
0x70: {  	_ =	shalt  }
0x71: {  	_ =	shalt  }
0x72: {  	_ =	shalt  }
0x73: {  	_ =	shalt  }
0x74: {  	_ =	shalt  }
0x75: {  	_ =	shalt  }
0x76: {  	_ =	shalt  }
0x77: {  	_ =	shalt  }
0x78: {  	_ =	shalt  }
0x79: {  	_ =	shalt  }
0x7a: {  	_ =	shalt  }
0x7b: {  	_ =	shalt  }
0x7c: {  	_ =	shalt  }
0x7d: {  	_ =	shalt  }
0x7e: {  	_ =	shalt  }
0x7f: {  	_ =	shalt  }
0x80: {  	_ =	shalt  }
0x81: {  	_ =	shalt  }
0x82: {  	_ =	shalt  }
0x83: {  	_ =	shalt  }
0x84: {  	_ =	shalt  }
0x85: {  	_ =	shalt  }
0x86: {  	_ =	shalt  }
0x87: {  	_ =	shalt  }
.Lfunc_end0:
.L_simem_size_0:
called_computation.1_lowered:
.L_overlay_start_0:
0x88: {  	s2 =	sld [smem:$0x3FD9]  }
0x89: {  	s3 =	sld [smem:$0x3FFE];
	_ =	sdelay $0x1  }
0x8a: {  	s1 =	srdreg.scid  }
0x8b: {  	s0 =	sand.u32 $0x1, s1  }
0x8c: {  	s17 =	sshll.u32 s0, $0xA;
	s2 =	sadd.s32 s3, s2  }
0x8d: {  	s2 =	sadd.s32 s2, s17  }
0x8e: {  	[smem:$0x3FC6] =	sst s2  }
0x8f: {  	_ = 	snop  }
0x90: {  	s2 =	sld [smem:$0x3FC8]  }
0x91: {  	s18 =	sld [smem:$0x3FD0];
	(tm) =	ssettm $0x1  }
0x92: {  	s4 =	sld [smem:$0x3FFB];
	_ =	sdelay $0x3  }
0x93: {  	_ =	strace s4  }
0x94: {  	s4 =	sld [smem:$0x3FFC];
	_ =	sdelay $0x3  }
0x95: {  	_ =	strace s4  }
0x96: {  	s4 =	sld [smem:$0x3FFD];
	_ =	sdelay $0x3  }
0x97: {  	_ =	strace s4  }
0x98: {  	_ =	strace $0x8FFFFFFF  }
0x99: {  	s19 =	sld [smem:$0x3FDB];
	_ =	sdelay $0x1  }
0x9a: {  	s5 =	simm.s32 $_scs_section_size  }
0x9b: {  	s6 =	simm.s32 $_size__tile_overlayer_lowered;
	s7 =	simm.s32 $_tile_overlayer_lowered  }
0x9c: {  	s22 =	simm.s32 $0x1BFF;
	s21 =	sshll.u32 s7, $0x1;
	s4 =	sadd.s32 s5, s19  }
0x9d: {  	s8 =	simm.s32 $0x0;
	s20 =	sshll.u32 s6, $0x1;
	s6 =	sadd.s32 s21, s4  }
0x9e: {  	[timem:s8], [sflag:s22] =	dma.local [hbm:s6], s20  }
0x9f: {  	_ =	swait.ge [sflag:s22], s20  }
0xa0: {  	s5 =	ssub.s32 $0x0, s20;
	[sflag:s22] =	ssyncset.done $0x0  }
0xa1: {  	[sflag:s22] =	ssyncadd.s32 s5;
	_ =	sdelay $0x1  }
0xa2: {  	s23 =	simm.s32 $0x1B8B  }
0xa3: {  	_ =	swait.ge [sflag:s23], $0x1  }
0xa4: {  	[sflag:s23] =	ssyncset.done $0x0  }
0xa5: {  	s25 =	simm.s32 $0x1B8E;
	s24 =	sld [smem:$0x3FFE];
	[sflag:s23] =	ssyncadd.s32 $0xFFFFFFFF  }
0xa6: {  	s26 =	simm.s32 $execute0_lowered;
	[smem:$0x3FD2] =	sst s25  }
0xa7: {  	s6 =	sshll.u32 s26, $0x1;
	_ =	strace $0x80000049;
	[dreg:$0x1] =	wrdreg $0xFFFFFFFF  }
0xa8: {  	s28 =	simm.s32 $_size_execute0_lowered;
	s4 =	sadd.s32 s4, s6;
	[dreg:$0x0] =	wrdreg $0x0  }
0xa9: {  	s6 =	sshll.u32 s28, $0x1;
	[dreg:$0x2] =	wrdreg s4  }
0xaa: {  	[dreg:$0x3] =	wrdreg s6  }
0xab: {  	[dreg:$0x4] =	wrdreg $0xC0  }
0xac: {  	_ =	task [dreg:s8], $0x5FFFF  }
0xad: {  	[dreg:$0x1] =	wrdreg $0xFFFFFFFF  }
0xae: {  	[dreg:$0x0] =	wrdreg $0x60  }
0xaf: {  	[dreg:$0x2] =	wrdreg s18  }
0xb0: {  	[dreg:$0x3] =	wrdreg s2  }
0xb1: {  	[dreg:$0x4] =	wrdreg s24  }
0xb2: {  	[dreg:$0x5] =	wrdreg $0x9  }
0xb3: {  	_ =	task.clear_ibuf [dreg:s8], $0x6FFFF;
	_ =	strace $0x90000049  }
0xb4: {  	s29 =	simm.s32 $0x9;
	_ =	strace $0x8000004B  }
0xb5: {  	_ =	swait.ge [sflag:s29], $0x1  }
0xb6: {  	[sflag:s29] =	ssyncadd.s32 $0xFFFFFFFF  }
0xb7: {  	_ =	strace $0x9000004B  }
0xb8: {  	_ =	sfence  }
0xb9: {  	s30 =	sld [smem:$0x0];
	_ =	sdelay $0x2  }
0xba: {  	s31 =	sshll.u32 s1, $0xD;
	s1 =	sshrl.u32 s1, $0x2  }
0xbb: {  	s3 =	sand.u32 $0x4000, s31;
	s1 =	sadd.s32 s1, s30  }
0xbc: {  	s0 =	sor.u32 s3, s0;
	s1 =	sshll.u32 s1, $0x11  }
0xbd: {  	s0 =	sor.u32 s1, s0  }
0xbe: {  	s0 =	sadd.s32 $0x8F2B, s0  }
0xbf: {  	[sflag:s0] =	ssyncadd.remote.s32 $0x1  }
0xc0: {  	_ =	sfence.sel $0xFFFF  }
0xc1: {  	[dreg:$0x0] =	wrdreg $0xFFFFFFFF;
	(pc) =	sbr.abs _section_cstart, $3  }
0xc2: {  	[dreg:$0x1] =	wrdreg $0xFFFFFFFF  }
0xc3: {  	_ =	task.clear_ibuf [dreg:s8], $0x2FFFF;
	_ =	strace $0x9FFFFFFF  }
0xc4: {  	(tm) =	ssettm $0x7FFFFFFF  }
0xc5: {  	_ =	shalt  }
tec
execute0_lowered:
.L_overlay_start_1:
0x0: {  	(tag) =	ssettag $0x1  }
0x1: {  	s1 =	rddreg [dreg:$0x0];
	s0 =	srdreg.scid  }
0x2: {  	s3 =	stileid.u32;
	s2 =	rddreg [dreg:$0x2]  }
0x3: {  	s4 =	simm.s32 $0x0;
	s18 =	simm.s32 $0x7;
	s19 =	simm.s32 $0x4800  }
0x4: {  	s20 =	simm.s32 $0x8800;
	s21 =	simm.s32 $0xC800;
	s22 =	simm.s32 $0x1  }
0x5: {  	s23 =	simm.s32 $0x10800;
	s28 =	simm.s32 $0x18800;
	s29 =	simm.s32 $0x4  }
0x6: {  	s30 =	simm.s32 $0x5;
	s31 =	simm.s32 $0x6;
	s0 =	sand.u32 $0x1, s0  }
0x7: {  	s3 =	sshll.u32 s3, $0x6;
	[smem:$0x7FF] =	sst s4;
	s5 =	sshll.u32 s0, $0x5  }
0x8: {  	s7 =	sadd.s32 $0x800, s2;
	s0 =	ssub.s32 $0x2, s0;
	s5 =	sor.u32 s5, s3  }
0x9: {  	_ =	strace $0x8000004A;
	s8 =	sshrl.u32 s0, $0x1;
	s3 =	sshll.u32 s5, $0xB  }
0xa: {  	s0 =	ssub.s32 s0, s8;
	s10 =	sor.u32 $0x3, s5;
	s6 =	sadd.s32 s1, s3  }
0xb: {  	s11 =	sor.u32 $0x1, s5;
	s12 =	sor.u32 $0x4, s5;
	s24 =	sadd.s32 $0x800, s6  }
0xc: {  	s26 =	sadd.s32 s3, s7;
	s25 =	sadd.s32 $0x1000, s6;
	[dreg:$0x4] =	wrdreg s24  }
0xd: {  	s13 =	sor.u32 $0x2, s5;
	s3 =	sadd.s32 $0xF000, s26;
	[dreg:$0x5] =	wrdreg s25  }
0xe: {  	s14 =	sor.u32 $0x5, s5;
	s2 =	sadd.s32 $0xF800, s26;
	[dreg:$0x6] =	wrdreg s3  }
0xf: {  	s17 =	smax.u32 s0, $0x1;
	s26 =	simm.s32 $0x3;
	[dreg:$0x7] =	wrdreg s2  }
0x10: {  	s24 =	simm.s32 $0x2;
	s25 =	simm.s32 $0x14800;
	s2 =	simm.s32 $0x0  }
.LBB2_1:
0x11: {  	s0 =	rddreg [dreg:$0x1]  }
0x12: {  	[tilespmem:s4], [sflag:$0x7] =	stream.linear.gather [hbm4b:s0+s4], $0x800, $0x38;
	[tilespmem:$0x1C800] =	vst v63  }
0x13: {  	_ =	swait.ge [sflag:s18], $0x800  }
0x14: {  	[sflag:s18] =	ssyncset.done $0x0  }
0x15: {  	s15 =	simm.s32 $0x840;
	s3 =	simm.s32 $0x0;
	[sflag:s18] =	ssyncadd.s32 $0xFFFFF800  }
.LBB2_2:
0x16: {  	s0 =	sshll.u32 s3, $0x7  }
0x17: {  	s8 =	sand.u32 $0x3FFFFF80, s0  }
0x18: {  	v0 =	vld [tilespmem:s8+$0x0];
	_ =	sdelay $0x4  }
0x19: {  	v1 =	vshll.u32 v0, $0x3  }
0x1a: {  	v0 =	vand.u32 $0x7F, v0;
	v1 =	vand.u32 $0xFFFFFC00, v1  }
0x1b: {  	s16 =	simm.s32 $0x0;
	v0 =	vor.u32 v1, v0  }
0x1c: {  	v0 =	vor.u32 s16, v0  }
0x1d: {  	[tilespmem:s15+$0xFFFFFFC0] =	vst v0  }
0x1e: {  	v0 =	vld [tilespmem:s8+$0x10];
	_ =	sdelay $0x4  }
0x1f: {  	v1 =	vshll.u32 v0, $0x3  }
0x20: {  	v0 =	vand.u32 $0x7F, v0;
	v1 =	vand.u32 $0xFFFFFC00, v1  }
0x21: {  	v0 =	vor.u32 v1, v0  }
0x22: {  	v0 =	vor.u32 s16, v0  }
0x23: {  	[tilespmem:s15+$0xFFFFFFD0] =	vst v0  }
0x24: {  	v0 =	vld [tilespmem:s8+$0x20];
	_ =	sdelay $0x4  }
0x25: {  	v1 =	vshll.u32 v0, $0x3  }
0x26: {  	v0 =	vand.u32 $0x7F, v0;
	v1 =	vand.u32 $0xFFFFFC00, v1  }
0x27: {  	v0 =	vor.u32 v1, v0  }
0x28: {  	v0 =	vor.u32 s16, v0  }
0x29: {  	[tilespmem:s15+$0xFFFFFFE0] =	vst v0  }
0x2a: {  	v0 =	vld [tilespmem:s8+$0x30];
	_ =	sdelay $0x4  }
0x2b: {  	v1 =	vshll.u32 v0, $0x3  }
0x2c: {  	v0 =	vand.u32 $0x7F, v0;
	v1 =	vand.u32 $0xFFFFFC00, v1  }
0x2d: {  	v0 =	vor.u32 v1, v0  }
0x2e: {  	v0 =	vor.u32 s16, v0  }
0x2f: {  	[tilespmem:s15+$0xFFFFFFF0] =	vst v0  }
0x30: {  	v0 =	vld [tilespmem:s8+$0x40];
	_ =	sdelay $0x4  }
0x31: {  	v1 =	vshll.u32 v0, $0x3  }
0x32: {  	v0 =	vand.u32 $0x7F, v0;
	v1 =	vand.u32 $0xFFFFFC00, v1  }
0x33: {  	v0 =	vor.u32 v1, v0  }
0x34: {  	v0 =	vor.u32 s16, v0  }
0x35: {  	[tilespmem:s15+$0x0] =	vst v0  }
0x36: {  	v0 =	vld [tilespmem:s8+$0x50];
	_ =	sdelay $0x4  }
0x37: {  	v1 =	vshll.u32 v0, $0x3  }
0x38: {  	v0 =	vand.u32 $0x7F, v0;
	v1 =	vand.u32 $0xFFFFFC00, v1  }
0x39: {  	v0 =	vor.u32 v1, v0  }
0x3a: {  	v0 =	vor.u32 s16, v0  }
0x3b: {  	[tilespmem:s15+$0x10] =	vst v0  }
0x3c: {  	v0 =	vld [tilespmem:s8+$0x60];
	_ =	sdelay $0x4  }
0x3d: {  	v1 =	vshll.u32 v0, $0x3  }
0x3e: {  	v0 =	vand.u32 $0x7F, v0;
	v1 =	vand.u32 $0xFFFFFC00, v1  }
0x3f: {  	v0 =	vor.u32 v1, v0  }
0x40: {  	v0 =	vor.u32 s16, v0  }
0x41: {  	[tilespmem:s15+$0x20] =	vst v0  }
0x42: {  	v0 =	vld [tilespmem:s8+$0x70];
	_ =	sdelay $0x4  }
0x43: {  	v1 =	vshll.u32 v0, $0x3  }
0x44: {  	v0 =	vand.u32 $0x7F, v0;
	v1 =	vand.u32 $0xFFFFFC00, v1  }
0x45: {  	v0 =	vor.u32 v1, v0  }
0x46: {  	v0 =	vor.u32 s16, v0  }
0x47: {  	[tilespmem:s15+$0x30] =	vst v0  }
0x48: {  	s9 =	simm.s32 $0x80;
	s0 =	smov.u32 s15;
	s16 =	simm.s32 $0x100;
	v0 =	vld [tilespmem:s8+$0x0]  }
.LBB2_3:
0x49: {  	p0 =	sne.s32 s16, $0x380;
	_ =	sdelay $0x3  }
0x4a: {  	v1 =	vshll.u32 v0, $0x3  }
0x4b: {  	v0 =	vand.u32 $0x7F, v0;
	v1 =	vand.u32 $0xFFFFFC00, v1  }
0x4c: {  	v0 =	vor.u32 v1, v0  }
0x4d: {  	s0 =	sadd.s32 $0x80, s0;
	v0 =	vor.u32 s9, v0  }
0x4e: {  	[tilespmem:s0+$0xFFFFFFC0] =	vst v0  }
0x4f: {  	v0 =	vld [tilespmem:s8+$0x10];
	_ =	sdelay $0x4  }
0x50: {  	v1 =	vshll.u32 v0, $0x3  }
0x51: {  	v0 =	vand.u32 $0x7F, v0;
	v1 =	vand.u32 $0xFFFFFC00, v1  }
0x52: {  	v0 =	vor.u32 v1, v0  }
0x53: {  	v0 =	vor.u32 s9, v0  }
0x54: {  	[tilespmem:s0+$0xFFFFFFD0] =	vst v0  }
0x55: {  	v0 =	vld [tilespmem:s8+$0x20];
	_ =	sdelay $0x4  }
0x56: {  	v1 =	vshll.u32 v0, $0x3  }
0x57: {  	v0 =	vand.u32 $0x7F, v0;
	v1 =	vand.u32 $0xFFFFFC00, v1  }
0x58: {  	v0 =	vor.u32 v1, v0  }
0x59: {  	v0 =	vor.u32 s9, v0  }
0x5a: {  	[tilespmem:s0+$0xFFFFFFE0] =	vst v0  }
0x5b: {  	v0 =	vld [tilespmem:s8+$0x30];
	_ =	sdelay $0x4  }
0x5c: {  	v1 =	vshll.u32 v0, $0x3  }
0x5d: {  	v0 =	vand.u32 $0x7F, v0;
	v1 =	vand.u32 $0xFFFFFC00, v1  }
0x5e: {  	v0 =	vor.u32 v1, v0  }
0x5f: {  	v0 =	vor.u32 s9, v0  }
0x60: {  	[tilespmem:s0+$0xFFFFFFF0] =	vst v0  }
0x61: {  	v0 =	vld [tilespmem:s8+$0x40];
	_ =	sdelay $0x4  }
0x62: {  	v1 =	vshll.u32 v0, $0x3  }
0x63: {  	v0 =	vand.u32 $0x7F, v0;
	v1 =	vand.u32 $0xFFFFFC00, v1  }
0x64: {  	v0 =	vor.u32 v1, v0  }
0x65: {  	v0 =	vor.u32 s9, v0  }
0x66: {  	[tilespmem:s0+$0x0] =	vst v0  }
0x67: {  	v0 =	vld [tilespmem:s8+$0x50];
	_ =	sdelay $0x4  }
0x68: {  	v1 =	vshll.u32 v0, $0x3  }
0x69: {  	v0 =	vand.u32 $0x7F, v0;
	v1 =	vand.u32 $0xFFFFFC00, v1  }
0x6a: {  	v0 =	vor.u32 v1, v0  }
0x6b: {  	v0 =	vor.u32 s9, v0  }
0x6c: {  	[tilespmem:s0+$0x10] =	vst v0  }
0x6d: {  	v0 =	vld [tilespmem:s8+$0x60];
	_ =	sdelay $0x4  }
0x6e: {  	v1 =	vshll.u32 v0, $0x3  }
0x6f: {  	v0 =	vand.u32 $0x7F, v0;
	v1 =	vand.u32 $0xFFFFFC00, v1  }
0x70: {  	v0 =	vor.u32 v1, v0  }
0x71: {  	v0 =	vor.u32 s9, v0  }
0x72: {  	[tilespmem:s0+$0x20] =	vst v0  }
0x73: {  	v0 =	vld [tilespmem:s8+$0x70];
	_ =	sdelay $0x4  }
0x74: {  	v1 =	vshll.u32 v0, $0x3  }
.Ltmp0:
0x75: {  	v0 =	vand.u32 $0x7F, v0;
	v1 =	vand.u32 $0xFFFFFC00, v1;
	(pc) =	sbr.rel @p0 .LBB2_3-.Ltmp0, $4  }
0x76: {  	v0 =	vor.u32 v1, v0  }
0x77: {  	v0 =	vor.u32 s9, v0;
	s9 =	smov.u32 s16  }
0x78: {  	[tilespmem:s0+$0x30] =	vst v0  }
0x79: {  	s16 =	sadd.s32 $0x80, s16;
	v0 =	vld [tilespmem:s8+$0x0]  }
0x7a: {  	_ =	sdelay $0x3  }
0x7b: {  	v1 =	vshll.u32 v0, $0x3  }
0x7c: {  	v56 =	vand.u32 $0x7F, v0;
	v1 =	vand.u32 $0xFFFFFC00, v1  }
0x7d: {  	v0 =	vor.u32 v1, v56  }
0x7e: {  	s0 =	sadd.s32 $0x80, s0;
	v0 =	vor.u32 s9, v0  }
0x7f: {  	[tilespmem:s0+$0xFFFFFFC0] =	vst v0  }
0x80: {  	v0 =	vld [tilespmem:s8+$0x10];
	_ =	sdelay $0x4  }
0x81: {  	v57 =	vshll.u32 v0, $0x3  }
0x82: {  	v0 =	vand.u32 $0x7F, v0;
	v1 =	vand.u32 $0xFFFFFC00, v57  }
0x83: {  	v0 =	vor.u32 v1, v0  }
0x84: {  	v0 =	vor.u32 s9, v0  }
0x85: {  	[tilespmem:s0+$0xFFFFFFD0] =	vst v0  }
0x86: {  	v0 =	vld [tilespmem:s8+$0x20];
	_ =	sdelay $0x4  }
0x87: {  	v58 =	vshll.u32 v0, $0x3  }
0x88: {  	v0 =	vand.u32 $0x7F, v0;
	v1 =	vand.u32 $0xFFFFFC00, v58  }
0x89: {  	v0 =	vor.u32 v1, v0  }
0x8a: {  	v0 =	vor.u32 s9, v0  }
0x8b: {  	[tilespmem:s0+$0xFFFFFFE0] =	vst v0  }
0x8c: {  	v0 =	vld [tilespmem:s8+$0x30];
	_ =	sdelay $0x4  }
0x8d: {  	v59 =	vshll.u32 v0, $0x3  }
0x8e: {  	v0 =	vand.u32 $0x7F, v0;
	v1 =	vand.u32 $0xFFFFFC00, v59  }
0x8f: {  	v0 =	vor.u32 v1, v0  }
0x90: {  	v0 =	vor.u32 s9, v0  }
0x91: {  	[tilespmem:s0+$0xFFFFFFF0] =	vst v0  }
0x92: {  	v0 =	vld [tilespmem:s8+$0x40];
	_ =	sdelay $0x4  }
0x93: {  	v60 =	vshll.u32 v0, $0x3  }
0x94: {  	v0 =	vand.u32 $0x7F, v0;
	v1 =	vand.u32 $0xFFFFFC00, v60  }
0x95: {  	v0 =	vor.u32 v1, v0  }
0x96: {  	v0 =	vor.u32 s9, v0  }
0x97: {  	[tilespmem:s0+$0x0] =	vst v0  }
0x98: {  	v0 =	vld [tilespmem:s8+$0x50];
	_ =	sdelay $0x4  }
0x99: {  	v61 =	vshll.u32 v0, $0x3  }
0x9a: {  	v0 =	vand.u32 $0x7F, v0;
	v1 =	vand.u32 $0xFFFFFC00, v61  }
0x9b: {  	v0 =	vor.u32 v1, v0  }
0x9c: {  	v0 =	vor.u32 s9, v0  }
0x9d: {  	[tilespmem:s0+$0x10] =	vst v0  }
0x9e: {  	v0 =	vld [tilespmem:s8+$0x60];
	_ =	sdelay $0x4  }
0x9f: {  	v62 =	vshll.u32 v0, $0x3  }
0xa0: {  	v0 =	vand.u32 $0x7F, v0;
	v1 =	vand.u32 $0xFFFFFC00, v62  }
0xa1: {  	v0 =	vor.u32 v1, v0  }
0xa2: {  	v0 =	vor.u32 s9, v0  }
0xa3: {  	[tilespmem:s0+$0x20] =	vst v0  }
0xa4: {  	v0 =	vld [tilespmem:s8+$0x70];
	_ =	sdelay $0x2  }
0xa5: {  	s3 =	sadd.s32 $0x1, s3  }
0xa6: {  	p0 =	sne.s32 s3, $0x10  }
.Ltmp1:
0xa7: {  	v63 =	vshll.u32 v0, $0x3;
	(pc) =	sbr.rel @p0 .LBB2_2-.Ltmp1, $4  }
0xa8: {  	v0 =	vand.u32 $0x7F, v0;
	v1 =	vand.u32 $0xFFFFFC00, v63  }
0xa9: {  	v0 =	vor.u32 v1, v0  }
0xaa: {  	v0 =	vor.u32 s9, v0  }
0xab: {  	s15 =	sadd.s32 $0x400, s15;
	[tilespmem:s0+$0x30] =	vst v0  }
0xac: {  	s0 =	simm.s32 $0x0  }
0xad: {  	[tilespmem:s19], [sflag:$0x1] =	stream.linear.gather [hbm4b:s6+s0], $0x4000, $0x38;
	[tilespmem:$0x1C800] =	vst v63  }
0xae: {  	s3 =	rddreg [dreg:$0x4]  }
0xaf: {  	[tilespmem:s20], [sflag:$0x2] =	stream.linear.gather [hbm4b:s3+s0], $0x4000, $0x38;
	[tilespmem:$0x1C800] =	vst v63  }
0xb0: {  	s16 =	rddreg [dreg:$0x5]  }
0xb1: {  	[tilespmem:s21], [sflag:$0x3] =	stream.linear.gather [hbm4b:s16+s0], $0x4000, $0x38;
	[tilespmem:$0x1C800] =	vst v63  }
.LBB2_6:
0xb2: {  	_ =	swait.ge [sflag:s22], $0x4000  }
0xb3: {  	p0 =	seq.s32 s0, $0x0;
	[sflag:s22] =	ssyncset.done $0x0  }
0xb4: {  	s3 =	simm.s32 @!p0 $0x4;
	[sflag:s22] =	ssyncadd.s32 $0xFFFFC000  }
0xb5: {  	_ =	swait.ge @!p0 [sflag:s3], $0x4000  }
0xb6: {  	[sflag:s3] =	ssyncset.done @!p0 $0x0  }
0xb7: {  	s16 =	simm.s32 $0x840;
	[sflag:s3] =	ssyncadd.s32 @!p0 $0xFFFFC000  }
0xb8: {  	v0 =	vld [tilespmem:s16+$0x30]  }
0xb9: {  	v1 =	vld [tilespmem:s16+$0xFFFFFFD0]  }
0xba: {  	v2 =	vld [tilespmem:s16+$0xFFFFFFE0]  }
0xbb: {  	v3 =	vld [tilespmem:s16+$0xFFFFFFF0]  }
0xbc: {  	v5 =	vld [tilespmem:s16+$0x0]  }
0xbd: {  	v6 =	vld [tilespmem:s16+$0x10]  }
0xbe: {  	v7 =	vld [tilespmem:s16+$0x20]  }
0xbf: {  	v8 =	vld [tilespmem:s16+$0xFFFFFFC0]  }
0xc0: {  	v9 =	vld.idx.msk [tilespmem:v0+s19+$0x0], $0xffff  }
0xc1: {  	v10 =	vld.idx.msk [tilespmem:v1+s19+$0x0], $0xffff  }
0xc2: {  	v4 =	vld.idx.msk [tilespmem:v2+s19+$0x0], $0xffff  }
0xc3: {  	v1 =	vld.idx.msk [tilespmem:v3+s19+$0x0], $0xffff  }
0xc4: {  	v0 =	vld.idx.msk [tilespmem:v5+s19+$0x0], $0xffff  }
0xc5: {  	s8 =	simm.s32 $0x10840;
	s3 =	smul.u32 $0x3, s0;
	v2 =	vld.idx.msk [tilespmem:v6+s19+$0x0], $0xffff  }
0xc6: {  	v3 =	vld.idx.msk [tilespmem:v7+s19+$0x0], $0xffff;
	[tilespmem:s8+$0x30] =	vst v9  }
0xc7: {  	s15 =	simm.s32 $0x0;
	s16 =	simm.s32 $0x8C0;
	s9 =	sadd.s32 s5, s3;
	v5 =	vld.idx.msk [tilespmem:v8+s19+$0x0], $0xffff;
	[tilespmem:s8+$0xFFFFFFD0] =	vst v10  }
.LBB2_7:
0xc8: {  	v6 =	vld [tilespmem:s16+$0x30];
	s15 =	sadd.s32 $0x80, s15;
	[tilespmem:s8+$0xFFFFFFE0] =	vst v4  }
0xc9: {  	v4 =	vld [tilespmem:s16+$0xFFFFFFD0];
	p1 =	slt.u32 s15, $0x3F80;
	[tilespmem:s8+$0xFFFFFFF0] =	vst v1  }
0xca: {  	v1 =	vld [tilespmem:s16+$0xFFFFFFE0];
	[tilespmem:s8+$0x0] =	vst v0  }
0xcb: {  	v0 =	vld [tilespmem:s16+$0xFFFFFFF0];
	[tilespmem:s8+$0x10] =	vst v2  }
0xcc: {  	v2 =	vld [tilespmem:s16+$0x0];
	[tilespmem:s8+$0x20] =	vst v3  }
0xcd: {  	v3 =	vld [tilespmem:s16+$0x10];
	[tilespmem:s8+$0xFFFFFFC0] =	vst v5  }
0xce: {  	v5 =	vld [tilespmem:s16+$0x20]  }
0xcf: {  	v7 =	vld [tilespmem:s16+$0xFFFFFFC0]  }
0xd0: {  	v6 =	vld.idx.msk [tilespmem:v6+s19+$0x0], $0xffff  }
0xd1: {  	v8 =	vld.idx.msk [tilespmem:v4+s19+$0x0], $0xffff  }
0xd2: {  	v4 =	vld.idx.msk [tilespmem:v1+s19+$0x0], $0xffff  }
.Ltmp2:
0xd3: {  	v1 =	vld.idx.msk [tilespmem:v0+s19+$0x0], $0xffff;
	(pc) =	sbr.rel @p1 .LBB2_7-.Ltmp2, $4  }
0xd4: {  	v0 =	vld.idx.msk [tilespmem:v2+s19+$0x0], $0xffff  }
0xd5: {  	s8 =	sadd.s32 $0x80, s8;
	v2 =	vld.idx.msk [tilespmem:v3+s19+$0x0], $0xffff  }
0xd6: {  	v3 =	vld.idx.msk [tilespmem:v5+s19+$0x0], $0xffff;
	[tilespmem:s8+$0x30] =	vst v6  }
0xd7: {  	s16 =	sadd.s32 $0x80, s16;
	v5 =	vld.idx.msk [tilespmem:v7+s19+$0x0], $0xffff;
	[tilespmem:s8+$0xFFFFFFD0] =	vst v8  }
0xd8: {  	[tilespmem:s8+$0xFFFFFFE0] =	vst v4  }
0xd9: {  	[tilespmem:s8+$0xFFFFFFF0] =	vst v1  }
0xda: {  	[tilespmem:s8+$0x0] =	vst v0  }
0xdb: {  	[tilespmem:s8+$0x10] =	vst v2  }
0xdc: {  	s9 =	sshll.u32 s9, $0xB;
	s15 =	sadd.s32 s3, s10;
	[tilespmem:s8+$0x20] =	vst v3  }
0xdd: {  	s9 =	sadd.s32 s7, s9;
	[tilespmem:s8+$0xFFFFFFC0] =	vst v5;
	s8 =	sshll.u32 s15, $0xB  }
0xde: {  	[hbm4b:s9+s4] =	stream.linear.scatter [tilespmem:s23], [sflag:$0x4], $0x4000, $0x38;
	[tilespmem:$0x1C800] =	vst v63  }
0xdf: {  	s8 =	sadd.s32 s1, s8  }
0xe0: {  	[tilespmem:s19], [sflag:$0x1] =	stream.linear.gather [hbm4b:s8+s4], $0x4000, $0x38;
	[tilespmem:$0x1C800] =	vst v63  }
0xe1: {  	_ =	swait.ge [sflag:s24], $0x4000  }
0xe2: {  	[sflag:s24] =	ssyncset.done $0x0  }
0xe3: {  	s8 =	simm.s32 @!p0 $0x5;
	[sflag:s24] =	ssyncadd.s32 $0xFFFFC000  }
0xe4: {  	_ =	swait.ge @!p0 [sflag:s8], $0x4000  }
0xe5: {  	[sflag:s8] =	ssyncset.done @!p0 $0x0  }
0xe6: {  	s16 =	simm.s32 $0x840;
	[sflag:s8] =	ssyncadd.s32 @!p0 $0xFFFFC000  }
0xe7: {  	v0 =	vld [tilespmem:s16+$0x30]  }
0xe8: {  	v1 =	vld [tilespmem:s16+$0xFFFFFFD0]  }
0xe9: {  	v2 =	vld [tilespmem:s16+$0xFFFFFFE0]  }
0xea: {  	v3 =	vld [tilespmem:s16+$0xFFFFFFF0]  }
0xeb: {  	v4 =	vld [tilespmem:s16+$0x0]  }
0xec: {  	v6 =	vld [tilespmem:s16+$0x10]  }
0xed: {  	v7 =	vld [tilespmem:s16+$0x20]  }
0xee: {  	v8 =	vld [tilespmem:s16+$0xFFFFFFC0]  }
0xef: {  	v9 =	vld.idx.msk [tilespmem:v0+s20+$0x0], $0xffff  }
0xf0: {  	v10 =	vld.idx.msk [tilespmem:v1+s20+$0x0], $0xffff  }
0xf1: {  	v5 =	vld.idx.msk [tilespmem:v2+s20+$0x0], $0xffff  }
0xf2: {  	v3 =	vld.idx.msk [tilespmem:v3+s20+$0x0], $0xffff  }
0xf3: {  	v0 =	vld.idx.msk [tilespmem:v4+s20+$0x0], $0xffff  }
0xf4: {  	s8 =	simm.s32 $0x14840;
	v1 =	vld.idx.msk [tilespmem:v6+s20+$0x0], $0xffff  }
0xf5: {  	v2 =	vld.idx.msk [tilespmem:v7+s20+$0x0], $0xffff;
	[tilespmem:s8+$0x30] =	vst v9  }
0xf6: {  	s15 =	simm.s32 $0x0;
	s9 =	sadd.s32 s3, s11;
	s16 =	simm.s32 $0x8C0;
	v4 =	vld.idx.msk [tilespmem:v8+s20+$0x0], $0xffff;
	[tilespmem:s8+$0xFFFFFFD0] =	vst v10  }
.LBB2_9:
0xf7: {  	v6 =	vld [tilespmem:s16+$0x30];
	s15 =	sadd.s32 $0x80, s15;
	[tilespmem:s8+$0xFFFFFFE0] =	vst v5  }
0xf8: {  	v5 =	vld [tilespmem:s16+$0xFFFFFFD0];
	p1 =	slt.u32 s15, $0x3F80;
	[tilespmem:s8+$0xFFFFFFF0] =	vst v3  }
0xf9: {  	v3 =	vld [tilespmem:s16+$0xFFFFFFE0];
	[tilespmem:s8+$0x0] =	vst v0  }
0xfa: {  	v0 =	vld [tilespmem:s16+$0xFFFFFFF0];
	[tilespmem:s8+$0x10] =	vst v1  }
0xfb: {  	v1 =	vld [tilespmem:s16+$0x0];
	[tilespmem:s8+$0x20] =	vst v2  }
0xfc: {  	v2 =	vld [tilespmem:s16+$0x10];
	[tilespmem:s8+$0xFFFFFFC0] =	vst v4  }
0xfd: {  	v4 =	vld [tilespmem:s16+$0x20]  }
0xfe: {  	v7 =	vld [tilespmem:s16+$0xFFFFFFC0]  }
0xff: {  	v6 =	vld.idx.msk [tilespmem:v6+s20+$0x0], $0xffff  }
0x100: {  	v8 =	vld.idx.msk [tilespmem:v5+s20+$0x0], $0xffff  }
0x101: {  	v5 =	vld.idx.msk [tilespmem:v3+s20+$0x0], $0xffff  }
.Ltmp3:
0x102: {  	v3 =	vld.idx.msk [tilespmem:v0+s20+$0x0], $0xffff;
	(pc) =	sbr.rel @p1 .LBB2_9-.Ltmp3, $4  }
0x103: {  	v0 =	vld.idx.msk [tilespmem:v1+s20+$0x0], $0xffff  }
0x104: {  	s8 =	sadd.s32 $0x80, s8;
	v1 =	vld.idx.msk [tilespmem:v2+s20+$0x0], $0xffff  }
0x105: {  	v2 =	vld.idx.msk [tilespmem:v4+s20+$0x0], $0xffff;
	[tilespmem:s8+$0x30] =	vst v6  }
0x106: {  	s16 =	sadd.s32 $0x80, s16;
	v4 =	vld.idx.msk [tilespmem:v7+s20+$0x0], $0xffff;
	[tilespmem:s8+$0xFFFFFFD0] =	vst v8  }
0x107: {  	[tilespmem:s8+$0xFFFFFFE0] =	vst v5  }
0x108: {  	[tilespmem:s8+$0xFFFFFFF0] =	vst v3  }
0x109: {  	[tilespmem:s8+$0x0] =	vst v0  }
0x10a: {  	[tilespmem:s8+$0x10] =	vst v1  }
0x10b: {  	s9 =	sshll.u32 s9, $0xB;
	s15 =	sadd.s32 s3, s12;
	[tilespmem:s8+$0x20] =	vst v2  }
0x10c: {  	s9 =	sadd.s32 s7, s9;
	[tilespmem:s8+$0xFFFFFFC0] =	vst v4;
	s8 =	sshll.u32 s15, $0xB  }
0x10d: {  	[hbm4b:s9+s4] =	stream.linear.scatter [tilespmem:s25], [sflag:$0x5], $0x4000, $0x38;
	[tilespmem:$0x1C800] =	vst v63  }
0x10e: {  	s8 =	sadd.s32 s1, s8  }
0x10f: {  	[tilespmem:s20], [sflag:$0x2] =	stream.linear.gather [hbm4b:s8+s4], $0x4000, $0x38;
	[tilespmem:$0x1C800] =	vst v63  }
0x110: {  	_ =	swait.ge [sflag:s26], $0x4000  }
0x111: {  	[sflag:s26] =	ssyncset.done $0x0  }
0x112: {  	s8 =	simm.s32 @!p0 $0x6;
	[sflag:s26] =	ssyncadd.s32 $0xFFFFC000  }
0x113: {  	_ =	swait.ge @!p0 [sflag:s8], $0x4000  }
0x114: {  	[sflag:s8] =	ssyncset.done @!p0 $0x0  }
0x115: {  	s16 =	simm.s32 $0x840;
	[sflag:s8] =	ssyncadd.s32 @!p0 $0xFFFFC000  }
0x116: {  	v0 =	vld [tilespmem:s16+$0x30]  }
0x117: {  	v1 =	vld [tilespmem:s16+$0xFFFFFFD0]  }
0x118: {  	v2 =	vld [tilespmem:s16+$0xFFFFFFE0]  }
0x119: {  	v3 =	vld [tilespmem:s16+$0xFFFFFFF0]  }
0x11a: {  	v4 =	vld [tilespmem:s16+$0x0]  }
0x11b: {  	v6 =	vld [tilespmem:s16+$0x10]  }
0x11c: {  	v7 =	vld [tilespmem:s16+$0x20]  }
0x11d: {  	v8 =	vld [tilespmem:s16+$0xFFFFFFC0]  }
0x11e: {  	v9 =	vld.idx.msk [tilespmem:v0+s21+$0x0], $0xffff  }
0x11f: {  	v10 =	vld.idx.msk [tilespmem:v1+s21+$0x0], $0xffff  }
0x120: {  	v5 =	vld.idx.msk [tilespmem:v2+s21+$0x0], $0xffff  }
0x121: {  	v3 =	vld.idx.msk [tilespmem:v3+s21+$0x0], $0xffff  }
0x122: {  	v0 =	vld.idx.msk [tilespmem:v4+s21+$0x0], $0xffff  }
0x123: {  	s8 =	simm.s32 $0x18840;
	v1 =	vld.idx.msk [tilespmem:v6+s21+$0x0], $0xffff  }
0x124: {  	v2 =	vld.idx.msk [tilespmem:v7+s21+$0x0], $0xffff;
	[tilespmem:s8+$0x30] =	vst v9  }
0x125: {  	s15 =	simm.s32 $0x0;
	s9 =	sadd.s32 s3, s13;
	s16 =	simm.s32 $0x8C0;
	v4 =	vld.idx.msk [tilespmem:v8+s21+$0x0], $0xffff;
	[tilespmem:s8+$0xFFFFFFD0] =	vst v10  }
.LBB2_11:
0x126: {  	v6 =	vld [tilespmem:s16+$0x30];
	s15 =	sadd.s32 $0x80, s15;
	[tilespmem:s8+$0xFFFFFFE0] =	vst v5  }
0x127: {  	v5 =	vld [tilespmem:s16+$0xFFFFFFD0];
	p0 =	slt.u32 s15, $0x3F80;
	[tilespmem:s8+$0xFFFFFFF0] =	vst v3  }
0x128: {  	v3 =	vld [tilespmem:s16+$0xFFFFFFE0];
	[tilespmem:s8+$0x0] =	vst v0  }
0x129: {  	v0 =	vld [tilespmem:s16+$0xFFFFFFF0];
	[tilespmem:s8+$0x10] =	vst v1  }
0x12a: {  	v1 =	vld [tilespmem:s16+$0x0];
	[tilespmem:s8+$0x20] =	vst v2  }
0x12b: {  	v2 =	vld [tilespmem:s16+$0x10];
	[tilespmem:s8+$0xFFFFFFC0] =	vst v4  }
0x12c: {  	v4 =	vld [tilespmem:s16+$0x20]  }
0x12d: {  	v7 =	vld [tilespmem:s16+$0xFFFFFFC0]  }
0x12e: {  	v6 =	vld.idx.msk [tilespmem:v6+s21+$0x0], $0xffff  }
0x12f: {  	v8 =	vld.idx.msk [tilespmem:v5+s21+$0x0], $0xffff  }
0x130: {  	v5 =	vld.idx.msk [tilespmem:v3+s21+$0x0], $0xffff  }
.Ltmp4:
0x131: {  	v3 =	vld.idx.msk [tilespmem:v0+s21+$0x0], $0xffff;
	(pc) =	sbr.rel @p0 .LBB2_11-.Ltmp4, $4  }
0x132: {  	v0 =	vld.idx.msk [tilespmem:v1+s21+$0x0], $0xffff  }
0x133: {  	s8 =	sadd.s32 $0x80, s8;
	v1 =	vld.idx.msk [tilespmem:v2+s21+$0x0], $0xffff  }
0x134: {  	v2 =	vld.idx.msk [tilespmem:v4+s21+$0x0], $0xffff;
	[tilespmem:s8+$0x30] =	vst v6  }
0x135: {  	s16 =	sadd.s32 $0x80, s16;
	v4 =	vld.idx.msk [tilespmem:v7+s21+$0x0], $0xffff;
	[tilespmem:s8+$0xFFFFFFD0] =	vst v8  }
0x136: {  	[tilespmem:s8+$0xFFFFFFE0] =	vst v5  }
0x137: {  	[tilespmem:s8+$0xFFFFFFF0] =	vst v3;
	p0 =	seq.s32 s0, $0x9  }
.Ltmp5:
0x138: {  	[tilespmem:s8+$0x0] =	vst v0;
	(pc) =	sbr.rel @p0 .LBB2_14-.Ltmp5, $4  }
0x139: {  	[tilespmem:s8+$0x10] =	vst v1  }
0x13a: {  	s9 =	sshll.u32 s9, $0xB;
	[tilespmem:s8+$0x20] =	vst v2  }
0x13b: {  	s16 =	sadd.s32 s7, s9;
	[tilespmem:s8+$0xFFFFFFC0] =	vst v4  }
0x13c: {  	[hbm4b:s16+s4] =	stream.linear.scatter [tilespmem:s28], [sflag:$0x6], $0x4000, $0x38;
	[tilespmem:$0x1C800] =	vst v63  }
.Ltmp6:
0x13d: {  	(pc) =	sbr.rel .LBB2_6-.Ltmp6, $4  }
0x13e: {  	s3 =	sadd.s32 s3, s14  }
0x13f: {  	s3 =	sshll.u32 s3, $0xB  }
0x140: {  	s0 =	sadd.s32 $0x1, s0;
	s3 =	sadd.s32 s1, s3  }
0x141: {  	[tilespmem:s21], [sflag:$0x3] =	stream.linear.gather [hbm4b:s3+s4], $0x4000, $0x38;
	[tilespmem:$0x1C800] =	vst v63  }
.LBB2_14:
0x142: {  	_ =	swait.ge [sflag:s22], $0x4000  }
0x143: {  	[sflag:s22] =	ssyncset.done $0x0  }
0x144: {  	[sflag:s22] =	ssyncadd.s32 $0xFFFFC000  }
0x145: {  	_ =	swait.ge [sflag:s29], $0x4000  }
0x146: {  	[sflag:s29] =	ssyncset.done $0x0  }
0x147: {  	s0 =	simm.s32 $0x840;
	[sflag:s29] =	ssyncadd.s32 $0xFFFFC000  }
0x148: {  	v0 =	vld [tilespmem:s0+$0x30]  }
0x149: {  	v1 =	vld [tilespmem:s0+$0xFFFFFFD0]  }
0x14a: {  	v2 =	vld [tilespmem:s0+$0xFFFFFFE0]  }
0x14b: {  	v3 =	vld [tilespmem:s0+$0xFFFFFFF0]  }
0x14c: {  	v4 =	vld [tilespmem:s0+$0x0]  }
0x14d: {  	v6 =	vld [tilespmem:s0+$0x10]  }
0x14e: {  	v7 =	vld [tilespmem:s0+$0x20]  }
0x14f: {  	v8 =	vld [tilespmem:s0+$0xFFFFFFC0]  }
0x150: {  	v9 =	vld.idx.msk [tilespmem:v0+s19+$0x0], $0xffff  }
0x151: {  	v10 =	vld.idx.msk [tilespmem:v1+s19+$0x0], $0xffff  }
0x152: {  	v5 =	vld.idx.msk [tilespmem:v2+s19+$0x0], $0xffff  }
0x153: {  	v3 =	vld.idx.msk [tilespmem:v3+s19+$0x0], $0xffff  }
0x154: {  	v0 =	vld.idx.msk [tilespmem:v4+s19+$0x0], $0xffff  }
0x155: {  	s0 =	simm.s32 $0x10840;
	v1 =	vld.idx.msk [tilespmem:v6+s19+$0x0], $0xffff  }
0x156: {  	v2 =	vld.idx.msk [tilespmem:v7+s19+$0x0], $0xffff;
	[tilespmem:s0+$0x30] =	vst v9  }
0x157: {  	s3 =	simm.s32 $0x0;
	s8 =	simm.s32 $0x8C0;
	v4 =	vld.idx.msk [tilespmem:v8+s19+$0x0], $0xffff;
	[tilespmem:s0+$0xFFFFFFD0] =	vst v10  }
.LBB2_15:
0x158: {  	v6 =	vld [tilespmem:s8+$0x30];
	s3 =	sadd.s32 $0x80, s3;
	[tilespmem:s0+$0xFFFFFFE0] =	vst v5  }
0x159: {  	v5 =	vld [tilespmem:s8+$0xFFFFFFD0];
	p0 =	slt.u32 s3, $0x3F80;
	[tilespmem:s0+$0xFFFFFFF0] =	vst v3  }
0x15a: {  	v3 =	vld [tilespmem:s8+$0xFFFFFFE0];
	[tilespmem:s0+$0x0] =	vst v0  }
0x15b: {  	v0 =	vld [tilespmem:s8+$0xFFFFFFF0];
	[tilespmem:s0+$0x10] =	vst v1  }
0x15c: {  	v1 =	vld [tilespmem:s8+$0x0];
	[tilespmem:s0+$0x20] =	vst v2  }
0x15d: {  	v2 =	vld [tilespmem:s8+$0x10];
	[tilespmem:s0+$0xFFFFFFC0] =	vst v4  }
0x15e: {  	v4 =	vld [tilespmem:s8+$0x20]  }
0x15f: {  	v7 =	vld [tilespmem:s8+$0xFFFFFFC0]  }
0x160: {  	v6 =	vld.idx.msk [tilespmem:v6+s19+$0x0], $0xffff  }
0x161: {  	v8 =	vld.idx.msk [tilespmem:v5+s19+$0x0], $0xffff  }
0x162: {  	v5 =	vld.idx.msk [tilespmem:v3+s19+$0x0], $0xffff  }
.Ltmp7:
0x163: {  	v3 =	vld.idx.msk [tilespmem:v0+s19+$0x0], $0xffff;
	(pc) =	sbr.rel @p0 .LBB2_15-.Ltmp7, $4  }
0x164: {  	v0 =	vld.idx.msk [tilespmem:v1+s19+$0x0], $0xffff  }
0x165: {  	s0 =	sadd.s32 $0x80, s0;
	v1 =	vld.idx.msk [tilespmem:v2+s19+$0x0], $0xffff  }
0x166: {  	v2 =	vld.idx.msk [tilespmem:v4+s19+$0x0], $0xffff;
	[tilespmem:s0+$0x30] =	vst v6  }
0x167: {  	s8 =	sadd.s32 $0x80, s8;
	v4 =	vld.idx.msk [tilespmem:v7+s19+$0x0], $0xffff;
	[tilespmem:s0+$0xFFFFFFD0] =	vst v8  }
0x168: {  	[tilespmem:s0+$0xFFFFFFE0] =	vst v5  }
0x169: {  	[tilespmem:s0+$0xFFFFFFF0] =	vst v3  }
0x16a: {  	[tilespmem:s0+$0x0] =	vst v0  }
0x16b: {  	[tilespmem:s0+$0x10] =	vst v1  }
0x16c: {  	[tilespmem:s0+$0x20] =	vst v2  }
0x16d: {  	[tilespmem:s0+$0xFFFFFFC0] =	vst v4  }
0x16e: {  	s0 =	rddreg [dreg:$0x6]  }
0x16f: {  	[hbm4b:s0+s4] =	stream.linear.scatter [tilespmem:s23], [sflag:$0x4], $0x4000, $0x38;
	[tilespmem:$0x1C800] =	vst v63  }
0x170: {  	_ =	swait.ge [sflag:s24], $0x4000  }
0x171: {  	[sflag:s24] =	ssyncset.done $0x0  }
0x172: {  	[sflag:s24] =	ssyncadd.s32 $0xFFFFC000  }
0x173: {  	_ =	swait.ge [sflag:s30], $0x4000  }
0x174: {  	[sflag:s30] =	ssyncset.done $0x0  }
0x175: {  	s16 =	simm.s32 $0x840;
	[sflag:s30] =	ssyncadd.s32 $0xFFFFC000  }
0x176: {  	v0 =	vld [tilespmem:s16+$0x30]  }
0x177: {  	v1 =	vld [tilespmem:s16+$0xFFFFFFD0]  }
0x178: {  	v2 =	vld [tilespmem:s16+$0xFFFFFFE0]  }
0x179: {  	v3 =	vld [tilespmem:s16+$0xFFFFFFF0]  }
0x17a: {  	v4 =	vld [tilespmem:s16+$0x0]  }
0x17b: {  	v6 =	vld [tilespmem:s16+$0x10]  }
0x17c: {  	v7 =	vld [tilespmem:s16+$0x20]  }
0x17d: {  	v8 =	vld [tilespmem:s16+$0xFFFFFFC0]  }
0x17e: {  	v9 =	vld.idx.msk [tilespmem:v0+s20+$0x0], $0xffff  }
0x17f: {  	v10 =	vld.idx.msk [tilespmem:v1+s20+$0x0], $0xffff  }
0x180: {  	v5 =	vld.idx.msk [tilespmem:v2+s20+$0x0], $0xffff  }
0x181: {  	v3 =	vld.idx.msk [tilespmem:v3+s20+$0x0], $0xffff  }
0x182: {  	v0 =	vld.idx.msk [tilespmem:v4+s20+$0x0], $0xffff  }
0x183: {  	s0 =	simm.s32 $0x14840;
	v1 =	vld.idx.msk [tilespmem:v6+s20+$0x0], $0xffff  }
0x184: {  	v2 =	vld.idx.msk [tilespmem:v7+s20+$0x0], $0xffff;
	[tilespmem:s0+$0x30] =	vst v9  }
0x185: {  	s3 =	simm.s32 $0x0;
	s8 =	simm.s32 $0x8C0;
	v4 =	vld.idx.msk [tilespmem:v8+s20+$0x0], $0xffff;
	[tilespmem:s0+$0xFFFFFFD0] =	vst v10  }
.LBB2_17:
0x186: {  	v6 =	vld [tilespmem:s8+$0x30];
	s3 =	sadd.s32 $0x80, s3;
	[tilespmem:s0+$0xFFFFFFE0] =	vst v5  }
0x187: {  	v5 =	vld [tilespmem:s8+$0xFFFFFFD0];
	p0 =	slt.u32 s3, $0x3F80;
	[tilespmem:s0+$0xFFFFFFF0] =	vst v3  }
0x188: {  	v3 =	vld [tilespmem:s8+$0xFFFFFFE0];
	[tilespmem:s0+$0x0] =	vst v0  }
0x189: {  	v0 =	vld [tilespmem:s8+$0xFFFFFFF0];
	[tilespmem:s0+$0x10] =	vst v1  }
0x18a: {  	v1 =	vld [tilespmem:s8+$0x0];
	[tilespmem:s0+$0x20] =	vst v2  }
0x18b: {  	v2 =	vld [tilespmem:s8+$0x10];
	[tilespmem:s0+$0xFFFFFFC0] =	vst v4  }
0x18c: {  	v4 =	vld [tilespmem:s8+$0x20]  }
0x18d: {  	v7 =	vld [tilespmem:s8+$0xFFFFFFC0]  }
0x18e: {  	v6 =	vld.idx.msk [tilespmem:v6+s20+$0x0], $0xffff  }
0x18f: {  	v8 =	vld.idx.msk [tilespmem:v5+s20+$0x0], $0xffff  }
0x190: {  	v5 =	vld.idx.msk [tilespmem:v3+s20+$0x0], $0xffff  }
.Ltmp8:
0x191: {  	v3 =	vld.idx.msk [tilespmem:v0+s20+$0x0], $0xffff;
	(pc) =	sbr.rel @p0 .LBB2_17-.Ltmp8, $4  }
0x192: {  	v0 =	vld.idx.msk [tilespmem:v1+s20+$0x0], $0xffff  }
0x193: {  	s0 =	sadd.s32 $0x80, s0;
	v1 =	vld.idx.msk [tilespmem:v2+s20+$0x0], $0xffff  }
0x194: {  	v2 =	vld.idx.msk [tilespmem:v4+s20+$0x0], $0xffff;
	[tilespmem:s0+$0x30] =	vst v6  }
0x195: {  	s8 =	sadd.s32 $0x80, s8;
	v4 =	vld.idx.msk [tilespmem:v7+s20+$0x0], $0xffff;
	[tilespmem:s0+$0xFFFFFFD0] =	vst v8  }
0x196: {  	[tilespmem:s0+$0xFFFFFFE0] =	vst v5  }
0x197: {  	[tilespmem:s0+$0xFFFFFFF0] =	vst v3  }
0x198: {  	[tilespmem:s0+$0x0] =	vst v0  }
0x199: {  	[tilespmem:s0+$0x10] =	vst v1  }
0x19a: {  	[tilespmem:s0+$0x20] =	vst v2  }
0x19b: {  	[tilespmem:s0+$0xFFFFFFC0] =	vst v4  }
0x19c: {  	s0 =	rddreg [dreg:$0x7]  }
0x19d: {  	[hbm4b:s0+s4] =	stream.linear.scatter [tilespmem:s25], [sflag:$0x5], $0x4000, $0x38;
	[tilespmem:$0x1C800] =	vst v63  }
0x19e: {  	_ =	swait.ge [sflag:s31], $0x4000  }
0x19f: {  	[sflag:s31] =	ssyncset.done $0x0  }
0x1a0: {  	s2 =	sadd.s32 $0x1, s2;
	[sflag:s31] =	ssyncadd.s32 $0xFFFFC000  }
0x1a1: {  	p0 =	sne.s32 s2, s17;
	_ =	swait.ge [sflag:s29], $0x4000  }
.Ltmp9:
0x1a2: {  	[sflag:s29] =	ssyncset.done $0x0;
	(pc) =	sbr.rel @p0 .LBB2_1-.Ltmp9, $4  }
0x1a3: {  	[sflag:s29] =	ssyncadd.s32 $0xFFFFC000  }
0x1a4: {  	_ =	swait.ge [sflag:s30], $0x4000  }
0x1a5: {  	[sflag:s30] =	ssyncset.done $0x0  }
0x1a6: {  	[sflag:s30] =	ssyncadd.s32 $0xFFFFC000  }
0x1a7: {  	_ =	sfence.sel $0x180000  }
0x1a8: {  	[bflag:$0x0] =	sbarrier.arrive $0xFFFF  }
0x1a9: {  	_ =	strace $0x9000004A  }
0x1aa: {  	s0 =	stileid.u32;
	[bflag:$0x2] =	sbarrier.arrive $0xFFFF  }
0x1ab: {  	p0 =	sne.s32 s0, $0x0;
	s0 =	rddreg [dreg:$0x3]  }
0x1ac: {  	s0 =	sadd.s32 @!p0 $0x100000, s0  }
0x1ad: {  	[sflag:s0] =	ssyncadd.tile.s32 @!p0 $0x1;
	_ =	shalt  }
.Lfunc_end2:
_tile_overlayer_lowered:
.L_overlay_start_2:
0x1ae: {  	(tag) =	ssettag $0x2  }
0x1af: {  	s0 =	rddreg [dreg:$0x0];
	s2 =	stileid.u32  }
0x1b0: {  	s1 =	rddreg [dreg:$0x1];
	p0 =	sne.s32 s2, $0x0  }
0x1b1: {  	s3 =	rddreg [dreg:$0x2];
	[bflag:$0x3] =	sbarrier.arrive $0xFFFF;
	s2 =	simm.s32 @!p0 $0x1C07  }
0x1b2: {  	[timem:s3], [sflag:s2] =	dma.local @!p0 [hbm:s0], s1  }
0x1b3: {  	s0 =	simm.s32 @!p0 $0x7  }
0x1b4: {  	_ =	swait.ge @!p0 [sflag:s0], s1  }
0x1b5: {  	s1 =	ssub.s32 @!p0 $0x0, s1;
	[sflag:s0] =	ssyncset.done @!p0 $0x0  }
0x1b6: {  	[sflag:s0] =	ssyncadd.s32 @!p0 s1  }
0x1b7: {  	[bflag:$0x3] =	sbarrier.arrive $0xFFFF  }
0x1b8: {  	_ =	shalt  }

// kernel: sparse-core-data-format-call.cloned.1.call-start
scs
called_computation_lowered:
.L_overlay_start_0:
0x0: {  	s2 =	sld [smem:$0x3FD9]  }
0x1: {  	s3 =	sld [smem:$0x3FFE];
	_ =	sdelay $0x1  }
0x2: {  	s1 =	srdreg.scid  }
0x3: {  	s0 =	sand.u32 $0x1, s1  }
0x4: {  	s19 =	sshll.u32 s0, $0xA;
	s2 =	sadd.s32 s3, s2  }
0x5: {  	s2 =	sadd.s32 s2, s19  }
0x6: {  	[smem:$0x3FC6] =	sst s2  }
0x7: {  	_ = 	snop  }
0x8: {  	s2 =	sld [smem:$0x3FC9]  }
0x9: {  	s20 =	sld [smem:$0x3FD0];
	(tm) =	ssettm $0x1  }
0xa: {  	s4 =	sld [smem:$0x3FFB];
	_ =	sdelay $0x3  }
0xb: {  	_ =	strace s4  }
0xc: {  	s4 =	sld [smem:$0x3FFC];
	_ =	sdelay $0x3  }
0xd: {  	_ =	strace s4  }
0xe: {  	s4 =	sld [smem:$0x3FFD];
	_ =	sdelay $0x3  }
0xf: {  	_ =	strace s4  }
0x10: {  	_ =	strace $0x8FFFFFFF  }
0x11: {  	s21 =	sld [smem:$0x3FDB];
	_ =	sdelay $0x1  }
0x12: {  	s5 =	simm.s32 $_scs_section_size  }
0x13: {  	s6 =	simm.s32 $_size__tile_overlayer_lowered;
	s7 =	simm.s32 $_tile_overlayer_lowered  }
0x14: {  	s24 =	simm.s32 $0x1BFF;
	s23 =	sshll.u32 s7, $0x1;
	s4 =	sadd.s32 s5, s21  }
0x15: {  	s8 =	simm.s32 $0x0;
	s22 =	sshll.u32 s6, $0x1;
	s6 =	sadd.s32 s23, s4  }
0x16: {  	[timem:s8], [sflag:s24] =	dma.local [hbm:s6], s22  }
0x17: {  	_ =	swait.ge [sflag:s24], s22  }
0x18: {  	s5 =	ssub.s32 $0x0, s22;
	[sflag:s24] =	ssyncset.done $0x0  }
0x19: {  	[sflag:s24] =	ssyncadd.s32 s5;
	_ =	sdelay $0x1  }
0x1a: {  	s25 =	simm.s32 $0x1B8B  }
0x1b: {  	_ =	swait.ge [sflag:s25], $0x1  }
0x1c: {  	[sflag:s25] =	ssyncset.done $0x0  }
0x1d: {  	s26 =	simm.s32 $0x1B8E;
	[sflag:s25] =	ssyncadd.s32 $0xFFFFFFFF  }
0x1e: {  	s27 =	simm.s32 $execute0_lowered;
	[smem:$0x3FD2] =	sst s26  }
0x1f: {  	s5 =	sshll.u32 s27, $0x1;
	_ =	strace $0x80000046;
	[dreg:$0x1] =	wrdreg $0xFFFFFFFF  }
0x20: {  	s28 =	simm.s32 $_size_execute0_lowered;
	s4 =	sadd.s32 s4, s5;
	[dreg:$0x0] =	wrdreg $0x0  }
0x21: {  	s5 =	sshll.u32 s28, $0x1;
	[dreg:$0x2] =	wrdreg s4  }
0x22: {  	[dreg:$0x3] =	wrdreg s5  }
0x23: {  	[dreg:$0x4] =	wrdreg $0xC0  }
0x24: {  	_ =	task [dreg:s8], $0x5FFFF  }
0x25: {  	[dreg:$0x1] =	wrdreg $0xFFFFFFFF  }
0x26: {  	[dreg:$0x0] =	wrdreg $0x60  }
0x27: {  	[dreg:$0x2] =	wrdreg s2  }
0x28: {  	[dreg:$0x3] =	wrdreg s20  }
0x29: {  	[dreg:$0x4] =	wrdreg $0x9  }
0x2a: {  	_ =	task.clear_ibuf [dreg:s8], $0x5FFFF;
	_ =	strace $0x90000046  }
0x2b: {  	s29 =	simm.s32 $0x9;
	_ =	strace $0x80000048  }
0x2c: {  	_ =	swait.ge [sflag:s29], $0x1  }
0x2d: {  	[sflag:s29] =	ssyncadd.s32 $0xFFFFFFFF  }
0x2e: {  	_ =	strace $0x90000048  }
0x2f: {  	_ =	sfence  }
0x30: {  	s30 =	sld [smem:$0x0];
	_ =	sdelay $0x2  }
0x31: {  	s31 =	sshll.u32 s1, $0xD;
	s1 =	sshrl.u32 s1, $0x2  }
0x32: {  	s3 =	sand.u32 $0x4000, s31;
	s1 =	sadd.s32 s1, s30  }
0x33: {  	s0 =	sor.u32 s3, s0;
	s1 =	sshll.u32 s1, $0x11  }
0x34: {  	s0 =	sor.u32 s1, s0  }
0x35: {  	s0 =	sadd.s32 $0x8F2B, s0  }
0x36: {  	[sflag:s0] =	ssyncadd.remote.s32 $0x1  }
0x37: {  	_ =	sfence.sel $0xFFFF  }
0x38: {  	[dreg:$0x0] =	wrdreg $0xFFFFFFFF;
	(pc) =	sbr.abs _section_cstart, $3  }
0x39: {  	[dreg:$0x1] =	wrdreg $0xFFFFFFFF  }
0x3a: {  	_ =	task.clear_ibuf [dreg:s8], $0x2FFFF;
	_ =	strace $0x9FFFFFFF  }
0x3b: {  	(tm) =	ssettm $0x7FFFFFFF  }
tec
execute0_lowered:
.L_overlay_start_1:
0x0: {  	(tag) =	ssettag $0x1  }
0x1: {  	s2 =	rddreg [dreg:$0x0]  }
0x2: {  	s3 =	rddreg [dreg:$0x1]  }
0x3: {  	s0 =	rddreg [dreg:$0x2];
	_ =	strace $0x80000047  }
0x4: {  	s4 =	srdreg.scid;
	s1 =	stileid.u32;
	s6 =	simm.s32 $0x2  }
.Ltmp0:
0x5: {  	s11 =	simm.s32 $0x0;
	p0 =	por $0x0, $0x0;
	(pc) =	sbr.rel .LBB1_1-.Ltmp0, $4  }
0x6: {  	s7 =	simm.s32 $0x4000;
	s12 =	simm.s32 $0x0;
	s5 =	sshll.u32 s4, $0x4  }
0x7: {  	s9 =	simm.s32 $0x0;
	s4 =	simm.s32 $0x1;
	s5 =	sand.u32 $0x10, s5  }
0x8: {  	s8 =	simm.s32 $0x0;
	[sflag:s4] =	ssyncpa.u1 $0x0;
	s5 =	sor.u32 s1, s5  }
0x9: {  	[sflag:s6] =	ssyncpa.u1 $0x0;
	s6 =	simm.s32 $0x800;
	s10 =	smov.u32 s5  }
.LBB1_7:
0xa: {  	s13 =	sadd.s32 $0x10, s9  }
0xb: {  	s11 =	sadd.s32 $0x20, s10;
	s15 =	smov.u32 s10;
	p2 =	sgt.s32 s13, $0x7F  }
0xc: {  	p1 =	slt.u32 s8, $0x2;
	s15 =	smov.u32 @p2 s11  }
0xd: {  	s8 =	sadd.s32 $0x1, s8;
	s13 =	simm.s32 @p2 $0x0;
	p2 =	sgt.s32 s15, $0x7F  }
0xe: {  	s15 =	smov.u32 @p2 s5;
	p2 =	sne.s32 s8, $0x22  }
.Ltmp1:
0xf: {  	_ = 	snop;
	(pc) =	sbr.rel @!p2 .LBB1_8-.Ltmp1, $4  }
0x10: {  	s14 =	simm.s32 @!p1 $0x2  }
0x11: {  	s12 =	smov.u32 s10;
	_ =	swait.ge @!p1 [sflag:s14], $0x4000  }
0x12: {  	p0 =	por !p0, !p0;
	s11 =	smov.u32 s9;
	[sflag:s14] =	ssyncset.done @!p1 $0x0  }
0x13: {  	s9 =	smov.u32 s13;
	[sflag:s14] =	ssyncadd.s32 @!p1 $0xFFFFC000;
	s10 =	smov.u32 s15  }
.LBB1_1:
0x14: {  	p1 =	sgt.u32 s8, $0x1F  }
0x15: {  	s13 =	sxor.u32 @!p1 $0xFFFFFFFF, s8;
	s14 =	sshll.u32 @!p1 s10, $0xE  }
0x16: {  	s15 =	sshll.u32 @!p1 s9, $0x7;
	s13 =	sshll.u32 @!p1 s13, $0xE;
	s14 =	sadd.s32 @!p1 s2, s14  }
0x17: {  	s13 =	sand.u32 @!p1 $0x4000, s13;
	s14 =	sadd.s32 @!p1 s15, s14;
	s15 =	simm.s32 @!p1 $0x0  }
0x18: {  	[tilespmem:s13], [sflag:$0x1] =	stream.linear.gather @!p1 [hbm4b:s14+s15], $0x4000, $0x38;
	[tilespmem:$0x10000] =	vst v63  }
0x19: {  	p1 =	seq.s32 s8, $0x0  }
0x1a: {  	p2 =	seq.s32 @!p1 s8, $0x21  }
0x1b: {  	p1 =	por p1, p2  }
.Ltmp2:
0x1c: {  	_ = 	snop;
	(pc) =	sbr.rel @p1 .LBB1_7-.Ltmp2, $1  }
0x1d: {  	_ =	sdelay $0x3  }
0x1e: {  	s13 =	simm.s32 $0x1;
	_ =	swait.ge [sflag:s4], $0x4000;
	s16 =	sshll.u32 s8, $0xE  }
0x1f: {  	s13 =	simm.s32 @!p0 $0x0;
	[sflag:s4] =	ssyncset.done $0x0;
	s31 =	sand.u32 $0x4000, s16  }
0x20: {  	s16 =	simm.s32 $0x0;
	s14 =	sshll.u32 s13, $0xE;
	[sflag:s4] =	ssyncadd.s32 $0xFFFFC000  }
0x21: {  	s13 =	sor.u32 $0x8040, s14;
	s15 =	sor.u32 $0x40, s14;
	s14 =	sor.u32 $0x8000, s31  }
.LBB1_3:
0x22: {  	v0 =	vmov s15;
	_ =	sdelay $0x3  }
0x23: {  	s18 =	simm.s32 $0x0  }
0x24: {  	v6 =	vld.idx.msk [tilespmem:v0+s18+$0x30 ss:$0x1], $0xffff  }
0x25: {  	v7 =	vld.idx.msk [tilespmem:v0+s18+$0xFFFFFFC0 ss:$0x1], $0xffff  }
0x26: {  	v5 =	vld.idx.msk [tilespmem:v0+s18+$0xFFFFFFD0 ss:$0x1], $0xffff  }
0x27: {  	v4 =	vld.idx.msk [tilespmem:v0+s18+$0xFFFFFFE0 ss:$0x1], $0xffff  }
0x28: {  	v3 =	vld.idx.msk [tilespmem:v0+s18+$0xFFFFFFF0 ss:$0x1], $0xffff  }
0x29: {  	v1 =	vld.idx.msk [tilespmem:v0+s18+$0x0 ss:$0x1], $0xffff  }
0x2a: {  	v2 =	vld.idx.msk [tilespmem:v0+s18+$0x10 ss:$0x1], $0xffff;
	[tilespmem:s13+$0x30] =	vst v6  }
0x2b: {  	s17 =	simm.s32 $0x80;
	s19 =	simm.s32 $0x400;
	[tilespmem:s13+$0xFFFFFFC0] =	vst v7;
	v6 =	vld.idx.msk [tilespmem:v0+s18+$0x20 ss:$0x1], $0xffff;
	s18 =	smov.u32 s13  }
.LBB1_4:
0x2c: {  	p1 =	sne.s32 s19, $0xE00;
	v7 =	vld.idx.msk [tilespmem:v0+s17+$0x30 ss:$0x1], $0xffff;
	[tilespmem:s18+$0xFFFFFFD0] =	vst v5  }
0x2d: {  	v8 =	vld.idx.msk [tilespmem:v0+s17+$0xFFFFFFC0 ss:$0x1], $0xffff;
	[tilespmem:s18+$0xFFFFFFE0] =	vst v4  }
0x2e: {  	v5 =	vld.idx.msk [tilespmem:v0+s17+$0xFFFFFFD0 ss:$0x1], $0xffff;
	[tilespmem:s18+$0xFFFFFFF0] =	vst v3  }
.Ltmp3:
0x2f: {  	v4 =	vld.idx.msk [tilespmem:v0+s17+$0xFFFFFFE0 ss:$0x1], $0xffff;
	[tilespmem:s18+$0x0] =	vst v1;
	(pc) =	sbr.rel @p1 .LBB1_4-.Ltmp3, $4  }
0x30: {  	v3 =	vld.idx.msk [tilespmem:v0+s17+$0xFFFFFFF0 ss:$0x1], $0xffff;
	[tilespmem:s18+$0x10] =	vst v2  }
0x31: {  	v1 =	vld.idx.msk [tilespmem:v0+s17+$0x0 ss:$0x1], $0xffff;
	[tilespmem:s18+$0x20] =	vst v6;
	s18 =	sadd.s32 $0x800, s18  }
0x32: {  	v2 =	vld.idx.msk [tilespmem:v0+s17+$0x10 ss:$0x1], $0xffff;
	[tilespmem:s18+$0x30] =	vst v7  }
0x33: {  	[tilespmem:s18+$0xFFFFFFC0] =	vst v8;
	v6 =	vld.idx.msk [tilespmem:v0+s17+$0x20 ss:$0x1], $0xffff;
	s17 =	sshra.s32 s19, $0x2;
	s19 =	sadd.s32 $0x200, s19  }
0x34: {  	_ =	sdelay $0x2  }
0x35: {  	[tilespmem:s18+$0xFFFFFFD0] =	vst v5  }
0x36: {  	v56 =	vld.idx.msk [tilespmem:v0+s17+$0x30 ss:$0x1], $0xffff;
	[tilespmem:s18+$0xFFFFFFE0] =	vst v4  }
0x37: {  	v57 =	vld.idx.msk [tilespmem:v0+s17+$0xFFFFFFC0 ss:$0x1], $0xffff;
	[tilespmem:s18+$0xFFFFFFF0] =	vst v3  }
0x38: {  	v58 =	vld.idx.msk [tilespmem:v0+s17+$0xFFFFFFD0 ss:$0x1], $0xffff;
	[tilespmem:s18+$0x0] =	vst v1  }
0x39: {  	v59 =	vld.idx.msk [tilespmem:v0+s17+$0xFFFFFFE0 ss:$0x1], $0xffff;
	[tilespmem:s18+$0x10] =	vst v2  }
0x3a: {  	v60 =	vld.idx.msk [tilespmem:v0+s17+$0xFFFFFFF0 ss:$0x1], $0xffff;
	s31 =	sadd.s32 $0x800, s18;
	[tilespmem:s18+$0x20] =	vst v6  }
0x3b: {  	v61 =	vld.idx.msk [tilespmem:v0+s17+$0x0 ss:$0x1], $0xffff;
	[tilespmem:s31+$0x30] =	vst v56  }
0x3c: {  	v62 =	vld.idx.msk [tilespmem:v0+s17+$0x10 ss:$0x1], $0xffff;
	s16 =	sadd.s32 $0x1, s16;
	[tilespmem:s31+$0xFFFFFFC0] =	vst v57  }
0x3d: {  	v63 =	vld.idx.msk [tilespmem:v0+s17+$0x20 ss:$0x1], $0xffff;
	p1 =	sne.s32 s16, $0x10;
	[tilespmem:s31+$0xFFFFFFD0] =	vst v58  }
.Ltmp4:
0x3e: {  	[tilespmem:s31+$0xFFFFFFE0] =	vst v59;
	(pc) =	sbr.rel @p1 .LBB1_3-.Ltmp4, $4  }
0x3f: {  	[tilespmem:s31+$0xFFFFFFF0] =	vst v60  }
0x40: {  	[tilespmem:s31+$0x0] =	vst v61  }
0x41: {  	[tilespmem:s31+$0x10] =	vst v62  }
0x42: {  	s13 =	sadd.s32 $0x80, s13;
	s15 =	sadd.s32 $0x400, s15;
	[tilespmem:s31+$0x20] =	vst v63  }
.Ltmp5:
0x43: {  	(pc) =	sbr.rel .LBB1_7-.Ltmp5, $4  }
0x44: {  	s12 =	sshll.u32 s12, $0xE;
	s11 =	sshll.u32 s11, $0x4  }
0x45: {  	s11 =	sand.u32 $0x7F0, s11;
	s12 =	sadd.s32 s3, s12  }
0x46: {  	s11 =	sadd.s32 s11, s12  }
0x47: {  	[hbm4b:s11+s6] =	stream.strided.scatter [tilespmem:s14], [sflag:$0x2], $0x4000, s7, s6, $0x38;
	[tilespmem:$0x10000] =	vst v63  }
.LBB1_8:
0x48: {  	_ =	sfence.sel $0x180000  }
0x49: {  	s2 =	simm.s32 $0x1;
	[bflag:$0x0] =	sbarrier.arrive $0xFFFF  }
0x4a: {  	s31 =	simm.s32 $0x2;
	[sflag:s2] =	ssyncpa.u1 $0x1  }
0x4b: {  	[sflag:s31] =	ssyncpa.u1 $0x1  }
0x4c: {  	p0 =	sne.s32 s1, $0x0;
	_ =	strace $0x90000047  }
0x4d: {  	s0 =	sadd.s32 @!p0 $0x100000, s0;
	[bflag:$0x2] =	sbarrier.arrive $0xFFFF  }
0x4e: {  	[sflag:s0] =	ssyncadd.tile.s32 @!p0 $0x1;
	_ =	shalt  }
.Lfunc_end1:
_tile_overlayer_lowered:
.L_overlay_start_2:
0x4f: {  	(tag) =	ssettag $0x2  }
0x50: {  	s0 =	rddreg [dreg:$0x0];
	s2 =	stileid.u32  }
0x51: {  	s1 =	rddreg [dreg:$0x1];
	p0 =	sne.s32 s2, $0x0  }
0x52: {  	s3 =	rddreg [dreg:$0x2];
	[bflag:$0x3] =	sbarrier.arrive $0xFFFF;
	s2 =	simm.s32 @!p0 $0x1C01  }
0x53: {  	[timem:s3], [sflag:s2] =	dma.local @!p0 [hbm:s0], s1  }
0x54: {  	s0 =	simm.s32 @!p0 $0x1  }
0x55: {  	_ =	swait.ge @!p0 [sflag:s0], s1  }
0x56: {  	s1 =	ssub.s32 @!p0 $0x0, s1;
	[sflag:s0] =	ssyncset.done @!p0 $0x0  }
0x57: {  	[sflag:s0] =	ssyncadd.s32 @!p0 s1  }
0x58: {  	[bflag:$0x3] =	sbarrier.arrive $0xFFFF  }
0x59: {  	_ =	shalt  }

</sc_bundles>
